<compile_context>
chip_gen: v7x
topology: tpu7x:2x2x1
jax: 0.10.2.dev20260603
libtpu: 0.0.44.dev20260713+nightly
codegen_flags: <defaults>
</compile_context>

<pallas_src>
import jax
import jax.numpy as jnp
from jax import lax
from jax.experimental import pallas as pl
from jax.experimental.pallas import tpu as pltpu
from jax.experimental.pallas import tpu_sc as plsc

N_NODES = 10000
N_PAD = 10240
N_EDGES = 320000
D_FEAT = 128
D_CNT = 16
D_HID = 256
NC = 2
NS = 16
CH = 80
NCHUNK = N_EDGES // CH
RPT = N_PAD // NS
RB = 2048

_f32 = jnp.float32


def _edge_pass(tbl_hbm, eidx_hbm, acc_sh, idx, rows, gsem, qsem,
               base, n, cnt=None):

    def prefetch(i, b):
        off = base + jnp.minimum(i, n - 1) * CH
        pltpu.async_copy(eidx_hbm.at[:, pl.ds(off, CH)], idx[b], qsem[b])

    def wait_idx(b):
        pltpu.make_async_copy(eidx_hbm.at[:, pl.ds(base, CH)], idx[b],
                              qsem[b]).wait()

    def gather(b):
        pltpu.async_copy(tbl_hbm.at[idx[b].at[0]], rows[b], gsem[b])

    def finish(b):
        pltpu.make_async_copy(tbl_hbm.at[idx[b].at[0]], rows[b],
                              gsem[b]).wait()
        if cnt is not None:
            cacc, ones_v, csem = cnt
            pltpu.async_copy(ones_v, cacc.at[idx[b].at[1]], csem,
                             add=True)
        pltpu.sync_copy(rows[b], acc_sh.at[idx[b].at[1]], add=True)
        if cnt is not None:
            cacc, ones_v, csem = cnt
            pltpu.make_async_copy(ones_v, cacc.at[idx[b].at[1]],
                                  csem).wait()

    def block(i, b):
        wait_idx(1 - b)
        gather(1 - b)
        finish(b)
        prefetch(i + 2, b)

    prefetch(0, 0)
    wait_idx(0)
    gather(0)
    prefetch(1, 1)

    pairs = (n - 1) // 2

    @pl.loop(0, pairs)
    def _(g):
        i0 = 2 * g
        block(i0, 0)
        block(i0 + 1, 1)

    for i in range(2 * pairs, n - 1):
        block(i, i % 2)

    bl = (n - 1) % 2
    finish(bl)
    wait_idx(1 - bl)


def _agg1_body(xp_hbm, eidx_hbm, z128_hbm, z16_hbm, ones_hbm,
               outa, outb, outca, outcb,
               acc, cacc, idx0, idx1, rows0, rows1, ones_v,
               g0, g1, q0, q1, cs):
    c = lax.axis_index("c")
    s = lax.axis_index("s")
    r0 = s * RPT
    pltpu.sync_copy(z128_hbm.at[pl.ds(r0, RPT)], acc.at[pl.ds(r0, RPT)])
    pltpu.sync_copy(z16_hbm.at[pl.ds(r0, RPT)], cacc.at[pl.ds(r0, RPT)])
    pltpu.sync_copy(ones_hbm, ones_v)
    plsc.subcore_barrier()

    cpw = NCHUNK // (NC * NS)
    _edge_pass(xp_hbm, eidx_hbm, acc, (idx0, idx1), (rows0, rows1),
               (g0, g1), (q0, q1), (c * NS + s) * cpw * CH, cpw,
               cnt=(cacc, ones_v, cs))
    plsc.subcore_barrier()

    @pl.when(c == 0)
    def _():
        pltpu.sync_copy(acc.at[pl.ds(r0, RPT)], outa.at[pl.ds(r0, RPT)])
        pltpu.sync_copy(cacc.at[pl.ds(r0, RPT)], outca.at[pl.ds(r0, RPT)])

    @pl.when(c == 1)
    def _():
        pltpu.sync_copy(acc.at[pl.ds(r0, RPT)], outb.at[pl.ds(r0, RPT)])
        pltpu.sync_copy(cacc.at[pl.ds(r0, RPT)], outcb.at[pl.ds(r0, RPT)])


def _agg2_body(h1bf_hbm, eidx_hbm, zer_hbm, outa, outb,
               acc, idx0, idx1, rows0, rows1, g0, g1, q0, q1):
    c = lax.axis_index("c")
    s = lax.axis_index("s")
    r0 = s * RPT
    pltpu.sync_copy(zer_hbm.at[pl.ds(r0, RPT)], acc.at[pl.ds(r0, RPT)])
    plsc.subcore_barrier()

    cpw = NCHUNK // (NC * NS)
    _edge_pass(h1bf_hbm, eidx_hbm, acc, (idx0, idx1), (rows0, rows1),
               (g0, g1), (q0, q1), (c * NS + s) * cpw * CH, cpw)
    plsc.subcore_barrier()

    @pl.when(c == 0)
    def _():
        pltpu.sync_copy(acc.at[pl.ds(r0, RPT)], outa.at[pl.ds(r0, RPT)])

    @pl.when(c == 1)
    def _():
        pltpu.sync_copy(acc.at[pl.ds(r0, RPT)], outb.at[pl.ds(r0, RPT)])


def _dot(a, b):
    return jnp.dot(a, b, preferred_element_type=_f32)


def _xr_body(x_ref, w_ref, b_ref, out_ref):
    out_ref[...] = _dot(x_ref[...], w_ref[...]) + b_ref[...]


def _lin2_body(xa_ref, xb_ref, wa_ref, wb_ref, b_ref, out_ref):
    out_ref[...] = (_dot(xa_ref[...], wa_ref[...])
                    + _dot(xb_ref[...], wb_ref[...]) + b_ref[...])


def _l1_post_body(pa, pb, ca, cb, xr, wl, ha, hb, hbf, rinv):
    t = pa[...] + pb[...]
    cnt = (ca[...] + cb[...])[:, 0:1]
    r = 1.0 / jnp.maximum(cnt, 1.0)
    agg = t * r
    h = jnp.maximum(_dot(agg, wl[...]) + xr[...], 0.0)
    ha[...] = h[:, :D_FEAT]
    hb[...] = h[:, D_FEAT:]
    hbf[...] = h.astype(jnp.bfloat16)
    rinv[...] = r


def _l2_post_body(s2a, s2b, yr, rinv, wl, wfc, bfc, out):
    ssum = s2a[...].astype(_f32) + s2b[...].astype(_f32)
    z = _dot(ssum * rinv[...], wl[...]) + yr[...]
    h2 = jnp.maximum(z, 0.0)
    out[...] = _dot(h2, wfc[...]) + bfc[...]


def _row_spec(d):
    return pl.BlockSpec((RB, d), lambda i: (i, 0))


def _full_spec(r, d):
    return pl.BlockSpec((r, d), lambda i: (0, 0))


def kernel(x, edge_index, W1l, b1l, W1r, W2l, b2l, W2r, Wfc, bfc):
    eidx = edge_index.astype(jnp.int32)
    xp = jnp.pad(x, ((0, N_PAD - N_NODES), (0, 0)))
    z128 = jnp.zeros((N_PAD, D_FEAT), _f32)
    z16 = jnp.zeros((N_PAD, D_CNT), _f32)
    ones16 = jnp.ones((CH, D_CNT), _f32)

    mesh = plsc.VectorSubcoreMesh(core_axis_name="c", subcore_axis_name="s")
    sc_params = pltpu.CompilerParams(use_tc_tiling_on_sc=False)

    grid1 = (N_PAD // RB,)

    xr = pl.pallas_call(
        _xr_body,
        grid=grid1,
        in_specs=[_row_spec(D_FEAT), _full_spec(D_FEAT, D_HID),
                  _full_spec(1, D_HID)],
        out_specs=[_row_spec(D_HID)],
        out_shape=[jax.ShapeDtypeStruct((N_PAD, D_HID), _f32)],
    )(xp, W1r.T, b1l[None, :])[0]

    agg1 = pl.kernel(
        _agg1_body,
        out_type=[jax.ShapeDtypeStruct((N_PAD, D_FEAT), _f32),
                  jax.ShapeDtypeStruct((N_PAD, D_FEAT), _f32),
                  jax.ShapeDtypeStruct((N_PAD, D_CNT), _f32),
                  jax.ShapeDtypeStruct((N_PAD, D_CNT), _f32)],
        mesh=mesh,
        scratch_types=[pltpu.VMEM_SHARED((N_PAD, D_FEAT), _f32),
                       pltpu.VMEM_SHARED((N_PAD, D_CNT), _f32),
                       pltpu.VMEM((2, CH), jnp.int32),
                       pltpu.VMEM((2, CH), jnp.int32),
                       pltpu.VMEM((CH, D_FEAT), _f32),
                       pltpu.VMEM((CH, D_FEAT), _f32),
                       pltpu.VMEM((CH, D_CNT), _f32),
                       pltpu.SemaphoreType.DMA,
                       pltpu.SemaphoreType.DMA,
                       pltpu.SemaphoreType.DMA,
                       pltpu.SemaphoreType.DMA,
                       pltpu.SemaphoreType.DMA],
        compiler_params=sc_params,
    )
    pa, pb, ca, cb = agg1(xp, eidx, z128, z16, ones16)

    ha, hb, hbf, rinv = pl.pallas_call(
        _l1_post_body,
        grid=grid1,
        in_specs=[_row_spec(D_FEAT), _row_spec(D_FEAT),
                  _row_spec(D_CNT), _row_spec(D_CNT), _row_spec(D_HID),
                  _full_spec(D_FEAT, D_HID)],
        out_specs=[_row_spec(D_FEAT), _row_spec(D_FEAT),
                   _row_spec(D_HID),
                   pl.BlockSpec((RB, 1), lambda i: (i, 0))],
        out_shape=[jax.ShapeDtypeStruct((N_PAD, D_FEAT), _f32),
                   jax.ShapeDtypeStruct((N_PAD, D_FEAT), _f32),
                   jax.ShapeDtypeStruct((N_PAD, D_HID), jnp.bfloat16),
                   jax.ShapeDtypeStruct((N_PAD, 1), _f32)],
    )(pa, pb, ca, cb, xr, W1l.T)

    w2lT = W2l.T
    w2rT = W2r.T

    yr = pl.pallas_call(
        _lin2_body,
        grid=grid1,
        in_specs=[_row_spec(D_FEAT), _row_spec(D_FEAT),
                  _full_spec(D_FEAT, D_HID), _full_spec(D_FEAT, D_HID),
                  _full_spec(1, D_HID)],
        out_specs=[_row_spec(D_HID)],
        out_shape=[jax.ShapeDtypeStruct((N_PAD, D_HID), _f32)],
    )(ha, hb, w2rT[:D_FEAT], w2rT[D_FEAT:], b2l[None, :])[0]

    zbf = jnp.zeros((N_PAD, D_HID), jnp.bfloat16)
    agg2 = pl.kernel(
        _agg2_body,
        out_type=[jax.ShapeDtypeStruct((N_PAD, D_HID), jnp.bfloat16),
                  jax.ShapeDtypeStruct((N_PAD, D_HID), jnp.bfloat16)],
        mesh=mesh,
        scratch_types=[pltpu.VMEM_SHARED((N_PAD, D_HID), jnp.bfloat16),
                       pltpu.VMEM((2, CH), jnp.int32),
                       pltpu.VMEM((2, CH), jnp.int32),
                       pltpu.VMEM((CH, D_HID), jnp.bfloat16),
                       pltpu.VMEM((CH, D_HID), jnp.bfloat16),
                       pltpu.SemaphoreType.DMA,
                       pltpu.SemaphoreType.DMA,
                       pltpu.SemaphoreType.DMA,
                       pltpu.SemaphoreType.DMA],
        compiler_params=sc_params,
    )
    s2a, s2b = agg2(hbf, eidx, zbf)

    out = pl.pallas_call(
        _l2_post_body,
        grid=grid1,
        in_specs=[_row_spec(D_HID), _row_spec(D_HID), _row_spec(D_HID),
                  pl.BlockSpec((RB, 1), lambda i: (i, 0)),
                  _full_spec(D_HID, D_HID),
                  _full_spec(D_HID, 1), _full_spec(1, 1)],
        out_specs=[pl.BlockSpec((RB, 1), lambda i: (i, 0))],
        out_shape=[jax.ShapeDtypeStruct((N_PAD, 1), _f32)],
    )(s2a, s2b, yr, rinv, w2lT, Wfc.T, bfc[None, :])[0]

    return out[:N_NODES]

# --- scband reference (transcript-rebuilt; emitter-appended) ---
"""Pipeline reference for scband-gnn-78443282694892 (READ-ONLY COPY).

The authoritative reference and input builder live on the scoring server;
editing this copy changes nothing except your own understanding.
"""

import jax, jax.numpy as jnp
import numpy as np

N_NODES = 10000
N_EDGES = 320000
D_FEAT = 128
D_HID = 256
D_OUT = 1


def setup_inputs(seed: int = 0) -> dict:
    key = jax.random.key(seed)
    ks = jax.random.split(key, 12)
    x = jax.random.normal(ks[0], (N_NODES, D_FEAT), dtype=jnp.float32)
    edge_index = jax.random.randint(ks[1], (2, N_EDGES), 0, N_NODES, dtype=jnp.int64)
    s1 = 1.0 / np.sqrt(D_FEAT)
    s2 = 1.0 / np.sqrt(D_HID)
    W1l = jax.random.uniform(ks[2], (D_HID, D_FEAT), jnp.float32, -s1, s1)
    b1l = jax.random.uniform(ks[3], (D_HID,), jnp.float32, -s1, s1)
    W1r = jax.random.uniform(ks[4], (D_HID, D_FEAT), jnp.float32, -s1, s1)
    W2l = jax.random.uniform(ks[5], (D_HID, D_HID), jnp.float32, -s2, s2)
    b2l = jax.random.uniform(ks[6], (D_HID,), jnp.float32, -s2, s2)
    W2r = jax.random.uniform(ks[7], (D_HID, D_HID), jnp.float32, -s2, s2)
    Wfc = jax.random.uniform(ks[8], (D_OUT, D_HID), jnp.float32, -s2, s2)
    bfc = jax.random.uniform(ks[9], (D_OUT,), jnp.float32, -s2, s2)
    return {"x": x, "edge_index": edge_index, "W1l": W1l, "b1l": b1l, "W1r": W1r,
            "W2l": W2l, "b2l": b2l, "W2r": W2r, "Wfc": Wfc, "bfc": bfc}


def _sage_conv(x, edge_index, Wl, bl, Wr):
    # PyG SAGEConv with mean aggregation: out = lin_l(mean_{j in N(i)} x_j) + lin_r(x_i)
    src = edge_index[0]
    dst = edge_index[1]
    n = x.shape[0]
    msgs = jnp.take(x, src, axis=0)
    agg_sum = jax.ops.segment_sum(msgs, dst, num_segments=n)
    cnt = jax.ops.segment_sum(jnp.ones((src.shape[0],), x.dtype), dst, num_segments=n)
    agg = agg_sum / jnp.maximum(cnt, 1.0)[:, None]
    return agg @ Wl.T + bl + x @ Wr.T


def reference(x, edge_index, W1l, b1l, W1r, W2l, b2l, W2r, Wfc, bfc):
    h = _sage_conv(x, edge_index, W1l, b1l, W1r)
    h = jax.nn.relu(h)
    h = _sage_conv(h, edge_index, W2l, b2l, W2r)
    h = jax.nn.relu(h)
    # dropout p=0.0 -> identity
    return h @ Wfc.T + bfc

if __name__ == "__main__":
    import jax
    _d = setup_inputs()
    print(jax.jit(kernel)(*tuple(_d.values())))

</pallas_src>

<mosaic_0001>
#map = affine_map<(d0, d1) -> (0, 0)>
module attributes {stable_mosaic.version = 14 : i64} {
  func.func @_agg2_body(%arg0: i32, %arg1: i32, %arg2: memref<10240x256xbf16, #tpu.memory_space<hbm>>, %arg3: memref<2x320000xi32, #tpu.memory_space<hbm>>, %arg4: memref<10240x256xbf16, #tpu.memory_space<hbm>>, %arg5: memref<10240x256xbf16, #tpu.memory_space<hbm>>, %arg6: memref<10240x256xbf16, #tpu.memory_space<hbm>>, %arg7: memref<10240x256xbf16, #tpu.memory_space<vmem_shared>>, %arg8: memref<2x80xi32, #tpu.memory_space<vmem>>, %arg9: memref<2x80xi32, #tpu.memory_space<vmem>>, %arg10: memref<80x256xbf16, #tpu.memory_space<vmem>>, %arg11: memref<80x256xbf16, #tpu.memory_space<vmem>>, %arg12: memref<!tpu.dma_semaphore, #tpu.memory_space<semaphore_mem>>, %arg13: memref<!tpu.dma_semaphore, #tpu.memory_space<semaphore_mem>>, %arg14: memref<!tpu.dma_semaphore, #tpu.memory_space<semaphore_mem>>, %arg15: memref<!tpu.dma_semaphore, #tpu.memory_space<semaphore_mem>>) attributes {dimension_semantics = [#tpu.dimension_semantics<core_parallel>, #tpu.dimension_semantics<subcore_parallel>], iteration_bounds = array<i64: 2, 16>, scalar_prefetch = 0 : i64, scratch_operands = 9 : i64, tpu.core_type = #tpu.core_type<sc_vector_subcore>, window_params = [{transform_indices = #map}, {transform_indices = #map}, {transform_indices = #map}, {transform_indices = #map}, {transform_indices = #map}]} {
    %mul3A = arith.constant 640 : i32
    %mul3A_0 = arith.muli %arg1, %mul3A : i32
    "tpu.region"() ({
      %run_scoped3A_58 = tpu.sem_alloc : memref<!tpu.dma_semaphore, #tpu.memory_space<semaphore_mem>>
      %dma_start3A_59 = arith.constant 0 : i32
      %dma_start3A_60 = tpu.memref_slice %arg7[%mul3A_0, %dma_start3A_59] : memref<10240x256xbf16, #tpu.memory_space<vmem_shared>> -> memref<640x256xbf16, #tpu.memory_space<vmem_shared>>
      %dma_start3A_61 = arith.constant 0 : i32
      %dma_start3A_62 = tpu.memref_slice %arg4[%mul3A_0, %dma_start3A_61] : memref<10240x256xbf16, #tpu.memory_space<hbm>> -> memref<640x256xbf16, #tpu.memory_space<hbm>>
      tpu.enqueue_dma source(%dma_start3A_62 : memref<640x256xbf16, #tpu.memory_space<hbm>>) target(%dma_start3A_60 : memref<640x256xbf16, #tpu.memory_space<vmem_shared>>) target_semaphore(%run_scoped3A_58 : memref<!tpu.dma_semaphore, #tpu.memory_space<semaphore_mem>>)
      %dma_wait3A_63 = arith.constant 0 : i32
      %dma_wait3A_64 = tpu.memref_slice %arg7[%mul3A_0, %dma_wait3A_63] : memref<10240x256xbf16, #tpu.memory_space<vmem_shared>> -> memref<640x256xbf16, #tpu.memory_space<vmem_shared>>
      %dma_wait3A_65 = arith.constant 0 : i32
      %dma_wait3A_66 = tpu.memref_slice %arg4[%mul3A_0, %dma_wait3A_65] : memref<10240x256xbf16, #tpu.memory_space<hbm>> -> memref<640x256xbf16, #tpu.memory_space<hbm>>
      tpu.wait_dma2 semaphore(%run_scoped3A_58 : memref<!tpu.dma_semaphore, #tpu.memory_space<semaphore_mem>>) src(%dma_wait3A_66 : memref<640x256xbf16, #tpu.memory_space<hbm>>) dst(%dma_wait3A_64 : memref<640x256xbf16, #tpu.memory_space<vmem_shared>>)
      tpu.yield
    }) : () -> ()
    %barrier3A = arith.constant 0 : index
    tpu.barrier barrier_id(%barrier3A)
    %mul3A_1 = arith.constant 16 : i32
    %mul3A_2 = arith.muli %arg0, %mul3A_1 : i32
    %add3A = arith.addi %mul3A_2, %arg1 : i32
    %mul3A_3 = arith.constant 125 : i32
    %mul3A_4 = arith.muli %add3A, %mul3A_3 : i32
    %mul3A_5 = arith.constant 80 : i32
    %mul3A_6 = arith.muli %mul3A_4, %mul3A_5 : i32
    %min3A = arith.constant 0 : i32
    %min3A_7 = arith.constant 124 : i32
    %min3A_8 = arith.minsi %min3A, %min3A_7 : i32
    %mul3A_9 = arith.constant 80 : i32
    %mul3A_10 = arith.muli %min3A_8, %mul3A_9 : i32
    %add3A_11 = arith.addi %mul3A_6, %mul3A_10 : i32
    %dma_start3A = arith.constant 0 : i32
    %dma_start3A_12 = tpu.memref_slice %arg3[%dma_start3A, %add3A_11] : memref<2x320000xi32, #tpu.memory_space<hbm>> -> memref<2x80xi32, #tpu.memory_space<hbm>>
    %dma_start3A_13 = arith.constant 0 : i32
    %dma_start3A_14 = tpu.memref_slice %arg3[%dma_start3A_13, %add3A_11] : memref<2x320000xi32, #tpu.memory_space<hbm>> -> memref<2x80xi32, #tpu.memory_space<hbm>>
    tpu.enqueue_dma source(%dma_start3A_14 : memref<2x80xi32, #tpu.memory_space<hbm>>) target(%arg8 : memref<2x80xi32, #tpu.memory_space<vmem>>) target_semaphore(%arg14 : memref<!tpu.dma_semaphore, #tpu.memory_space<semaphore_mem>>)
    %dma_wait3A = arith.constant 0 : i32
    %dma_wait3A_15 = tpu.memref_slice %arg3[%dma_wait3A, %mul3A_6] : memref<2x320000xi32, #tpu.memory_space<hbm>> -> memref<2x80xi32, #tpu.memory_space<hbm>>
    %dma_wait3A_16 = arith.constant 0 : i32
    %dma_wait3A_17 = tpu.memref_slice %arg3[%dma_wait3A_16, %mul3A_6] : memref<2x320000xi32, #tpu.memory_space<hbm>> -> memref<2x80xi32, #tpu.memory_space<hbm>>
    tpu.wait_dma2 semaphore(%arg14 : memref<!tpu.dma_semaphore, #tpu.memory_space<semaphore_mem>>) src(%dma_wait3A_17 : memref<2x80xi32, #tpu.memory_space<hbm>>) dst(%arg8 : memref<2x80xi32, #tpu.memory_space<vmem>>)
    %dma_start3A_18 = arith.constant 0 : i32
    %dma_start3A_19 = arith.constant 0 : i32
    %dma_start3A_20 = tpu.memref_slice %arg8[%dma_start3A_18, %dma_start3A_19] : memref<2x80xi32, #tpu.memory_space<vmem>> -> memref<1x80xi32, #tpu.memory_space<vmem>>
    %dma_start3A_21 = tpu.memref_squeeze %dma_start3A_20 : memref<1x80xi32, #tpu.memory_space<vmem>> -> memref<80xi32, #tpu.memory_space<vmem>>
    %dma_start3A_22 = arith.constant 0 : i32
    %dma_start3A_23 = arith.constant 0 : i32
    %dma_start3A_24 = tpu.memref_slice %arg2[%dma_start3A_22, %dma_start3A_23] : memref<10240x256xbf16, #tpu.memory_space<hbm>> -> memref<10240x256xbf16, #tpu.memory_space<hbm>>
    tpu.enqueue_indirect_dma source(%dma_start3A_24 : memref<10240x256xbf16, #tpu.memory_space<hbm>>) target(%arg10 : memref<80x256xbf16, #tpu.memory_space<vmem>>) offsets(%dma_start3A_21 : memref<80xi32, #tpu.memory_space<vmem>>) semaphore(%arg12 : memref<!tpu.dma_semaphore, #tpu.memory_space<semaphore_mem>>)
    %min3A_25 = arith.constant 1 : i32
    %min3A_26 = arith.constant 124 : i32
    %min3A_27 = arith.minsi %min3A_25, %min3A_26 : i32
    %mul3A_28 = arith.constant 80 : i32
    %mul3A_29 = arith.muli %min3A_27, %mul3A_28 : i32
    %add3A_30 = arith.addi %mul3A_6, %mul3A_29 : i32
    %dma_start3A_31 = arith.constant 0 : i32
    %dma_start3A_32 = tpu.memref_slice %arg3[%dma_start3A_31, %add3A_30] : memref<2x320000xi32, #tpu.memory_space<hbm>> -> memref<2x80xi32, #tpu.memory_space<hbm>>
    %dma_start3A_33 = arith.constant 0 : i32
    %dma_start3A_34 = tpu.memref_slice %arg3[%dma_start3A_33, %add3A_30] : memref<2x320000xi32, #tpu.memory_space<hbm>> -> memref<2x80xi32, #tpu.memory_space<hbm>>
    tpu.enqueue_dma source(%dma_start3A_34 : memref<2x80xi32, #tpu.memory_space<hbm>>) target(%arg9 : memref<2x80xi32, #tpu.memory_space<vmem>>) target_semaphore(%arg15 : memref<!tpu.dma_semaphore, #tpu.memory_space<semaphore_mem>>)
    %scan3A = arith.constant 0 : i32
    %scan3A_35 = arith.constant 62 : i32
    %scan3A_36 = arith.addi %scan3A, %scan3A_35 : i32
    %scan3A_37 = arith.constant 1 : i32
    scf.for %scan3A_58 = %scan3A to %scan3A_36 step %scan3A_37  : i32 {
      %mul3A_59 = arith.constant 1 : i32
      %mul3A_60 = arith.muli %scan3A_58, %mul3A_59 : i32
      %add3A_61 = arith.constant 0 : i32
      %add3A_62 = arith.addi %add3A_61, %mul3A_60 : i32
      %mul3A_63 = arith.constant 2 : i32
      %mul3A_64 = arith.muli %mul3A_63, %add3A_62 : i32
      %dma_wait3A_65 = arith.constant 0 : i32
      %dma_wait3A_66 = tpu.memref_slice %arg3[%dma_wait3A_65, %mul3A_6] : memref<2x320000xi32, #tpu.memory_space<hbm>> -> memref<2x80xi32, #tpu.memory_space<hbm>>
      %dma_wait3A_67 = arith.constant 0 : i32
      %dma_wait3A_68 = tpu.memref_slice %arg3[%dma_wait3A_67, %mul3A_6] : memref<2x320000xi32, #tpu.memory_space<hbm>> -> memref<2x80xi32, #tpu.memory_space<hbm>>
      tpu.wait_dma2 semaphore(%arg15 : memref<!tpu.dma_semaphore, #tpu.memory_space<semaphore_mem>>) src(%dma_wait3A_68 : memref<2x80xi32, #tpu.memory_space<hbm>>) dst(%arg9 : memref<2x80xi32, #tpu.memory_space<vmem>>)
      %dma_start3A_69 = arith.constant 0 : i32
      %dma_start3A_70 = arith.constant 0 : i32
      %dma_start3A_71 = tpu.memref_slice %arg9[%dma_start3A_69, %dma_start3A_70] : memref<2x80xi32, #tpu.memory_space<vmem>> -> memref<1x80xi32, #tpu.memory_space<vmem>>
      %dma_start3A_72 = tpu.memref_squeeze %dma_start3A_71 : memref<1x80xi32, #tpu.memory_space<vmem>> -> memref<80xi32, #tpu.memory_space<vmem>>
      %dma_start3A_73 = arith.constant 0 : i32
      %dma_start3A_74 = arith.constant 0 : i32
      %dma_start3A_75 = tpu.memref_slice %arg2[%dma_start3A_73, %dma_start3A_74] : memref<10240x256xbf16, #tpu.memory_space<hbm>> -> memref<10240x256xbf16, #tpu.memory_space<hbm>>
      tpu.enqueue_indirect_dma source(%dma_start3A_75 : memref<10240x256xbf16, #tpu.memory_space<hbm>>) target(%arg11 : memref<80x256xbf16, #tpu.memory_space<vmem>>) offsets(%dma_start3A_72 : memref<80xi32, #tpu.memory_space<vmem>>) semaphore(%arg13 : memref<!tpu.dma_semaphore, #tpu.memory_space<semaphore_mem>>)
      %dma_wait3A_76 = arith.constant 0 : i32
      %dma_wait3A_77 = arith.constant 0 : i32
      %dma_wait3A_78 = tpu.memref_slice %arg8[%dma_wait3A_76, %dma_wait3A_77] : memref<2x80xi32, #tpu.memory_space<vmem>> -> memref<1x80xi32, #tpu.memory_space<vmem>>
      %dma_wait3A_79 = tpu.memref_squeeze %dma_wait3A_78 : memref<1x80xi32, #tpu.memory_space<vmem>> -> memref<80xi32, #tpu.memory_space<vmem>>
      %dma_wait3A_80 = arith.constant 0 : i32
      %dma_wait3A_81 = arith.constant 0 : i32
      %dma_wait3A_82 = tpu.memref_slice %arg2[%dma_wait3A_80, %dma_wait3A_81] : memref<10240x256xbf16, #tpu.memory_space<hbm>> -> memref<10240x256xbf16, #tpu.memory_space<hbm>>
      tpu.wait_indirect_dma semaphore(%arg12 : memref<!tpu.dma_semaphore, #tpu.memory_space<semaphore_mem>>) src(%dma_wait3A_82 : memref<10240x256xbf16, #tpu.memory_space<hbm>>) dst(%arg10 : memref<80x256xbf16, #tpu.memory_space<vmem>>)
      %run_scoped3A_83 = arith.constant 1 : i32
      "tpu.region"() ({
        %run_scoped3A_127 = tpu.sem_alloc : memref<!tpu.dma_semaphore, #tpu.memory_space<semaphore_mem>>
        %dma_start3A_128 = arith.constant 0 : i32
        %dma_start3A_129 = tpu.memref_slice %arg8[%run_scoped3A_83, %dma_start3A_128] : memref<2x80xi32, #tpu.memory_space<vmem>> -> memref<1x80xi32, #tpu.memory_space<vmem>>
        %dma_start3A_130 = tpu.memref_squeeze %dma_start3A_129 : memref<1x80xi32, #tpu.memory_space<vmem>> -> memref<80xi32, #tpu.memory_space<vmem>>
        %dma_start3A_131 = arith.constant 0 : i32
        %dma_start3A_132 = arith.constant 0 : i32
        %dma_start3A_133 = tpu.memref_slice %arg7[%dma_start3A_131, %dma_start3A_132] : memref<10240x256xbf16, #tpu.memory_space<vmem_shared>> -> memref<10240x256xbf16, #tpu.memory_space<vmem_shared>>
        tpu.enqueue_indirect_dma source(%arg10 : memref<80x256xbf16, #tpu.memory_space<vmem>>) target(%dma_start3A_133 : memref<10240x256xbf16, #tpu.memory_space<vmem_shared>>) offsets(%dma_start3A_130 : memref<80xi32, #tpu.memory_space<vmem>>) semaphore(%run_scoped3A_127 : memref<!tpu.dma_semaphore, #tpu.memory_space<semaphore_mem>>) {add = true}
        %dma_wait3A_134 = arith.constant 0 : i32
        %dma_wait3A_135 = tpu.memref_slice %arg8[%run_scoped3A_83, %dma_wait3A_134] : memref<2x80xi32, #tpu.memory_space<vmem>> -> memref<1x80xi32, #tpu.memory_space<vmem>>
        %dma_wait3A_136 = tpu.memref_squeeze %dma_wait3A_135 : memref<1x80xi32, #tpu.memory_space<vmem>> -> memref<80xi32, #tpu.memory_space<vmem>>
        %dma_wait3A_137 = arith.constant 0 : i32
        %dma_wait3A_138 = arith.constant 0 : i32
        %dma_wait3A_139 = tpu.memref_slice %arg7[%dma_wait3A_137, %dma_wait3A_138] : memref<10240x256xbf16, #tpu.memory_space<vmem_shared>> -> memref<10240x256xbf16, #tpu.memory_space<vmem_shared>>
        tpu.wait_indirect_dma semaphore(%run_scoped3A_127 : memref<!tpu.dma_semaphore, #tpu.memory_space<semaphore_mem>>) src(%arg10 : memref<80x256xbf16, #tpu.memory_space<vmem>>) dst(%dma_wait3A_139 : memref<10240x256xbf16, #tpu.memory_space<vmem_shared>>)
        tpu.yield
      }) : () -> ()
      %add3A_84 = arith.constant 2 : i32
      %add3A_85 = arith.addi %mul3A_64, %add3A_84 : i32
      %min3A_86 = arith.constant 124 : i32
      %min3A_87 = arith.minsi %add3A_85, %min3A_86 : i32
      %mul3A_88 = arith.constant 80 : i32
      %mul3A_89 = arith.muli %min3A_87, %mul3A_88 : i32
      %add3A_90 = arith.addi %mul3A_6, %mul3A_89 : i32
      %dma_start3A_91 = arith.constant 0 : i32
      %dma_start3A_92 = tpu.memref_slice %arg3[%dma_start3A_91, %add3A_90] : memref<2x320000xi32, #tpu.memory_space<hbm>> -> memref<2x80xi32, #tpu.memory_space<hbm>>
      %dma_start3A_93 = arith.constant 0 : i32
      %dma_start3A_94 = tpu.memref_slice %arg3[%dma_start3A_93, %add3A_90] : memref<2x320000xi32, #tpu.memory_space<hbm>> -> memref<2x80xi32, #tpu.memory_space<hbm>>
      tpu.enqueue_dma source(%dma_start3A_94 : memref<2x80xi32, #tpu.memory_space<hbm>>) target(%arg8 : memref<2x80xi32, #tpu.memory_space<vmem>>) target_semaphore(%arg14 : memref<!tpu.dma_semaphore, #tpu.memory_space<semaphore_mem>>)
      %add3A_95 = arith.constant 1 : i32
      %add3A_96 = arith.addi %mul3A_64, %add3A_95 : i32
      %dma_wait3A_97 = arith.constant 0 : i32
      %dma_wait3A_98 = tpu.memref_slice %arg3[%dma_wait3A_97, %mul3A_6] : memref<2x320000xi32, #tpu.memory_space<hbm>> -> memref<2x80xi32, #tpu.memory_space<hbm>>
      %dma_wait3A_99 = arith.constant 0 : i32
      %dma_wait3A_100 = tpu.memref_slice %arg3[%dma_wait3A_99, %mul3A_6] : memref<2x320000xi32, #tpu.memory_space<hbm>> -> memref<2x80xi32, #tpu.memory_space<hbm>>
      tpu.wait_dma2 semaphore(%arg14 : memref<!tpu.dma_semaphore, #tpu.memory_space<semaphore_mem>>) src(%dma_wait3A_100 : memref<2x80xi32, #tpu.memory_space<hbm>>) dst(%arg8 : memref<2x80xi32, #tpu.memory_space<vmem>>)
      %dma_start3A_101 = arith.constant 0 : i32
      %dma_start3A_102 = arith.constant 0 : i32
      %dma_start3A_103 = tpu.memref_slice %arg8[%dma_start3A_101, %dma_start3A_102] : memref<2x80xi32, #tpu.memory_space<vmem>> -> memref<1x80xi32, #tpu.memory_space<vmem>>
      %dma_start3A_104 = tpu.memref_squeeze %dma_start3A_103 : memref<1x80xi32, #tpu.memory_space<vmem>> -> memref<80xi32, #tpu.memory_space<vmem>>
      %dma_start3A_105 = arith.constant 0 : i32
      %dma_start3A_106 = arith.constant 0 : i32
      %dma_start3A_107 = tpu.memref_slice %arg2[%dma_start3A_105, %dma_start3A_106] : memref<10240x256xbf16, #tpu.memory_space<hbm>> -> memref<10240x256xbf16, #tpu.memory_space<hbm>>
      tpu.enqueue_indirect_dma source(%dma_start3A_107 : memref<10240x256xbf16, #tpu.memory_space<hbm>>) target(%arg10 : memref<80x256xbf16, #tpu.memory_space<vmem>>) offsets(%dma_start3A_104 : memref<80xi32, #tpu.memory_space<vmem>>) semaphore(%arg12 : memref<!tpu.dma_semaphore, #tpu.memory_space<semaphore_mem>>)
      %dma_wait3A_108 = arith.constant 0 : i32
      %dma_wait3A_109 = arith.constant 0 : i32
      %dma_wait3A_110 = tpu.memref_slice %arg9[%dma_wait3A_108, %dma_wait3A_109] : memref<2x80xi32, #tpu.memory_space<vmem>> -> memref<1x80xi32, #tpu.memory_space<vmem>>
      %dma_wait3A_111 = tpu.memref_squeeze %dma_wait3A_110 : memref<1x80xi32, #tpu.memory_space<vmem>> -> memref<80xi32, #tpu.memory_space<vmem>>
      %dma_wait3A_112 = arith.constant 0 : i32
      %dma_wait3A_113 = arith.constant 0 : i32
      %dma_wait3A_114 = tpu.memref_slice %arg2[%dma_wait3A_112, %dma_wait3A_113] : memref<10240x256xbf16, #tpu.memory_space<hbm>> -> memref<10240x256xbf16, #tpu.memory_space<hbm>>
      tpu.wait_indirect_dma semaphore(%arg13 : memref<!tpu.dma_semaphore, #tpu.memory_space<semaphore_mem>>) src(%dma_wait3A_114 : memref<10240x256xbf16, #tpu.memory_space<hbm>>) dst(%arg11 : memref<80x256xbf16, #tpu.memory_space<vmem>>)
      %run_scoped3A_115 = arith.constant 1 : i32
      "tpu.region"() ({
        %run_scoped3A_127 = tpu.sem_alloc : memref<!tpu.dma_semaphore, #tpu.memory_space<semaphore_mem>>
        %dma_start3A_128 = arith.constant 0 : i32
        %dma_start3A_129 = tpu.memref_slice %arg9[%run_scoped3A_115, %dma_start3A_128] : memref<2x80xi32, #tpu.memory_space<vmem>> -> memref<1x80xi32, #tpu.memory_space<vmem>>
        %dma_start3A_130 = tpu.memref_squeeze %dma_start3A_129 : memref<1x80xi32, #tpu.memory_space<vmem>> -> memref<80xi32, #tpu.memory_space<vmem>>
        %dma_start3A_131 = arith.constant 0 : i32
        %dma_start3A_132 = arith.constant 0 : i32
        %dma_start3A_133 = tpu.memref_slice %arg7[%dma_start3A_131, %dma_start3A_132] : memref<10240x256xbf16, #tpu.memory_space<vmem_shared>> -> memref<10240x256xbf16, #tpu.memory_space<vmem_shared>>
        tpu.enqueue_indirect_dma source(%arg11 : memref<80x256xbf16, #tpu.memory_space<vmem>>) target(%dma_start3A_133 : memref<10240x256xbf16, #tpu.memory_space<vmem_shared>>) offsets(%dma_start3A_130 : memref<80xi32, #tpu.memory_space<vmem>>) semaphore(%run_scoped3A_127 : memref<!tpu.dma_semaphore, #tpu.memory_space<semaphore_mem>>) {add = true}
        %dma_wait3A_134 = arith.constant 0 : i32
        %dma_wait3A_135 = tpu.memref_slice %arg9[%run_scoped3A_115, %dma_wait3A_134] : memref<2x80xi32, #tpu.memory_space<vmem>> -> memref<1x80xi32, #tpu.memory_space<vmem>>
        %dma_wait3A_136 = tpu.memref_squeeze %dma_wait3A_135 : memref<1x80xi32, #tpu.memory_space<vmem>> -> memref<80xi32, #tpu.memory_space<vmem>>
        %dma_wait3A_137 = arith.constant 0 : i32
        %dma_wait3A_138 = arith.constant 0 : i32
        %dma_wait3A_139 = tpu.memref_slice %arg7[%dma_wait3A_137, %dma_wait3A_138] : memref<10240x256xbf16, #tpu.memory_space<vmem_shared>> -> memref<10240x256xbf16, #tpu.memory_space<vmem_shared>>
        tpu.wait_indirect_dma semaphore(%run_scoped3A_127 : memref<!tpu.dma_semaphore, #tpu.memory_space<semaphore_mem>>) src(%arg11 : memref<80x256xbf16, #tpu.memory_space<vmem>>) dst(%dma_wait3A_139 : memref<10240x256xbf16, #tpu.memory_space<vmem_shared>>)
        tpu.yield
      }) : () -> ()
      %add3A_116 = arith.constant 2 : i32
      %add3A_117 = arith.addi %add3A_96, %add3A_116 : i32
      %min3A_118 = arith.constant 124 : i32
      %min3A_119 = arith.minsi %add3A_117, %min3A_118 : i32
      %mul3A_120 = arith.constant 80 : i32
      %mul3A_121 = arith.muli %min3A_119, %mul3A_120 : i32
      %add3A_122 = arith.addi %mul3A_6, %mul3A_121 : i32
      %dma_start3A_123 = arith.constant 0 : i32
      %dma_start3A_124 = tpu.memref_slice %arg3[%dma_start3A_123, %add3A_122] : memref<2x320000xi32, #tpu.memory_space<hbm>> -> memref<2x80xi32, #tpu.memory_space<hbm>>
      %dma_start3A_125 = arith.constant 0 : i32
      %dma_start3A_126 = tpu.memref_slice %arg3[%dma_start3A_125, %add3A_122] : memref<2x320000xi32, #tpu.memory_space<hbm>> -> memref<2x80xi32, #tpu.memory_space<hbm>>
      tpu.enqueue_dma source(%dma_start3A_126 : memref<2x80xi32, #tpu.memory_space<hbm>>) target(%arg9 : memref<2x80xi32, #tpu.memory_space<vmem>>) target_semaphore(%arg15 : memref<!tpu.dma_semaphore, #tpu.memory_space<semaphore_mem>>)
    }
    %scan3A_38 = arith.constant 62 : i32
    %dma_wait3A_39 = arith.constant 0 : i32
    %dma_wait3A_40 = arith.constant 0 : i32
    %dma_wait3A_41 = tpu.memref_slice %arg8[%dma_wait3A_39, %dma_wait3A_40] : memref<2x80xi32, #tpu.memory_space<vmem>> -> memref<1x80xi32, #tpu.memory_space<vmem>>
    %dma_wait3A_42 = tpu.memref_squeeze %dma_wait3A_41 : memref<1x80xi32, #tpu.memory_space<vmem>> -> memref<80xi32, #tpu.memory_space<vmem>>
    %dma_wait3A_43 = arith.constant 0 : i32
    %dma_wait3A_44 = arith.constant 0 : i32
    %dma_wait3A_45 = tpu.memref_slice %arg2[%dma_wait3A_43, %dma_wait3A_44] : memref<10240x256xbf16, #tpu.memory_space<hbm>> -> memref<10240x256xbf16, #tpu.memory_space<hbm>>
    tpu.wait_indirect_dma semaphore(%arg12 : memref<!tpu.dma_semaphore, #tpu.memory_space<semaphore_mem>>) src(%dma_wait3A_45 : memref<10240x256xbf16, #tpu.memory_space<hbm>>) dst(%arg10 : memref<80x256xbf16, #tpu.memory_space<vmem>>)
    %run_scoped3A = arith.constant 1 : i32
    "tpu.region"() ({
      %run_scoped3A_58 = tpu.sem_alloc : memref<!tpu.dma_semaphore, #tpu.memory_space<semaphore_mem>>
      %dma_start3A_59 = arith.constant 0 : i32
      %dma_start3A_60 = tpu.memref_slice %arg8[%run_scoped3A, %dma_start3A_59] : memref<2x80xi32, #tpu.memory_space<vmem>> -> memref<1x80xi32, #tpu.memory_space<vmem>>
      %dma_start3A_61 = tpu.memref_squeeze %dma_start3A_60 : memref<1x80xi32, #tpu.memory_space<vmem>> -> memref<80xi32, #tpu.memory_space<vmem>>
      %dma_start3A_62 = arith.constant 0 : i32
      %dma_start3A_63 = arith.constant 0 : i32
      %dma_start3A_64 = tpu.memref_slice %arg7[%dma_start3A_62, %dma_start3A_63] : memref<10240x256xbf16, #tpu.memory_space<vmem_shared>> -> memref<10240x256xbf16, #tpu.memory_space<vmem_shared>>
      tpu.enqueue_indirect_dma source(%arg10 : memref<80x256xbf16, #tpu.memory_space<vmem>>) target(%dma_start3A_64 : memref<10240x256xbf16, #tpu.memory_space<vmem_shared>>) offsets(%dma_start3A_61 : memref<80xi32, #tpu.memory_space<vmem>>) semaphore(%run_scoped3A_58 : memref<!tpu.dma_semaphore, #tpu.memory_space<semaphore_mem>>) {add = true}
      %dma_wait3A_65 = arith.constant 0 : i32
      %dma_wait3A_66 = tpu.memref_slice %arg8[%run_scoped3A, %dma_wait3A_65] : memref<2x80xi32, #tpu.memory_space<vmem>> -> memref<1x80xi32, #tpu.memory_space<vmem>>
      %dma_wait3A_67 = tpu.memref_squeeze %dma_wait3A_66 : memref<1x80xi32, #tpu.memory_space<vmem>> -> memref<80xi32, #tpu.memory_space<vmem>>
      %dma_wait3A_68 = arith.constant 0 : i32
      %dma_wait3A_69 = arith.constant 0 : i32
      %dma_wait3A_70 = tpu.memref_slice %arg7[%dma_wait3A_68, %dma_wait3A_69] : memref<10240x256xbf16, #tpu.memory_space<vmem_shared>> -> memref<10240x256xbf16, #tpu.memory_space<vmem_shared>>
      tpu.wait_indirect_dma semaphore(%run_scoped3A_58 : memref<!tpu.dma_semaphore, #tpu.memory_space<semaphore_mem>>) src(%arg10 : memref<80x256xbf16, #tpu.memory_space<vmem>>) dst(%dma_wait3A_70 : memref<10240x256xbf16, #tpu.memory_space<vmem_shared>>)
      tpu.yield
    }) : () -> ()
    %dma_wait3A_46 = arith.constant 0 : i32
    %dma_wait3A_47 = tpu.memref_slice %arg3[%dma_wait3A_46, %mul3A_6] : memref<2x320000xi32, #tpu.memory_space<hbm>> -> memref<2x80xi32, #tpu.memory_space<hbm>>
    %dma_wait3A_48 = arith.constant 0 : i32
    %dma_wait3A_49 = tpu.memref_slice %arg3[%dma_wait3A_48, %mul3A_6] : memref<2x320000xi32, #tpu.memory_space<hbm>> -> memref<2x80xi32, #tpu.memory_space<hbm>>
    tpu.wait_dma2 semaphore(%arg15 : memref<!tpu.dma_semaphore, #tpu.memory_space<semaphore_mem>>) src(%dma_wait3A_49 : memref<2x80xi32, #tpu.memory_space<hbm>>) dst(%arg9 : memref<2x80xi32, #tpu.memory_space<vmem>>)
    %barrier3A_50 = arith.constant 0 : index
    tpu.barrier barrier_id(%barrier3A_50)
    %eq3A = arith.constant 0 : i32
    %eq3A_51 = arith.cmpi eq, %arg0, %eq3A : i32
    %convert_element_type3A = arith.extui %eq3A_51 : i1 to i32
    %cond3A = arith.constant 0 : i32
    %cond3A_52 = arith.cmpi ne, %convert_element_type3A, %cond3A : i32
    scf.if %cond3A_52 {
      "tpu.region"() ({
        %run_scoped3A_58 = tpu.sem_alloc : memref<!tpu.dma_semaphore, #tpu.memory_space<semaphore_mem>>
        %dma_start3A_59 = arith.constant 0 : i32
        %dma_start3A_60 = tpu.memref_slice %arg5[%mul3A_0, %dma_start3A_59] : memref<10240x256xbf16, #tpu.memory_space<hbm>> -> memref<640x256xbf16, #tpu.memory_space<hbm>>
        %dma_start3A_61 = arith.constant 0 : i32
        %dma_start3A_62 = tpu.memref_slice %arg7[%mul3A_0, %dma_start3A_61] : memref<10240x256xbf16, #tpu.memory_space<vmem_shared>> -> memref<640x256xbf16, #tpu.memory_space<vmem_shared>>
        tpu.enqueue_dma source(%dma_start3A_62 : memref<640x256xbf16, #tpu.memory_space<vmem_shared>>) target(%dma_start3A_60 : memref<640x256xbf16, #tpu.memory_space<hbm>>) target_semaphore(%run_scoped3A_58 : memref<!tpu.dma_semaphore, #tpu.memory_space<semaphore_mem>>)
        %dma_wait3A_63 = arith.constant 0 : i32
        %dma_wait3A_64 = tpu.memref_slice %arg5[%mul3A_0, %dma_wait3A_63] : memref<10240x256xbf16, #tpu.memory_space<hbm>> -> memref<640x256xbf16, #tpu.memory_space<hbm>>
        %dma_wait3A_65 = arith.constant 0 : i32
        %dma_wait3A_66 = tpu.memref_slice %arg7[%mul3A_0, %dma_wait3A_65] : memref<10240x256xbf16, #tpu.memory_space<vmem_shared>> -> memref<640x256xbf16, #tpu.memory_space<vmem_shared>>
        tpu.wait_dma2 semaphore(%run_scoped3A_58 : memref<!tpu.dma_semaphore, #tpu.memory_space<semaphore_mem>>) src(%dma_wait3A_66 : memref<640x256xbf16, #tpu.memory_space<vmem_shared>>) dst(%dma_wait3A_64 : memref<640x256xbf16, #tpu.memory_space<hbm>>)
        tpu.yield
      }) : () -> ()
    } else {
    }
    %eq3A_53 = arith.constant 1 : i32
    %eq3A_54 = arith.cmpi eq, %arg0, %eq3A_53 : i32
    %convert_element_type3A_55 = arith.extui %eq3A_54 : i1 to i32
    %cond3A_56 = arith.constant 0 : i32
    %cond3A_57 = arith.cmpi ne, %convert_element_type3A_55, %cond3A_56 : i32
    scf.if %cond3A_57 {
      "tpu.region"() ({
        %run_scoped3A_58 = tpu.sem_alloc : memref<!tpu.dma_semaphore, #tpu.memory_space<semaphore_mem>>
        %dma_start3A_59 = arith.constant 0 : i32
        %dma_start3A_60 = tpu.memref_slice %arg6[%mul3A_0, %dma_start3A_59] : memref<10240x256xbf16, #tpu.memory_space<hbm>> -> memref<640x256xbf16, #tpu.memory_space<hbm>>
        %dma_start3A_61 = arith.constant 0 : i32
        %dma_start3A_62 = tpu.memref_slice %arg7[%mul3A_0, %dma_start3A_61] : memref<10240x256xbf16, #tpu.memory_space<vmem_shared>> -> memref<640x256xbf16, #tpu.memory_space<vmem_shared>>
        tpu.enqueue_dma source(%dma_start3A_62 : memref<640x256xbf16, #tpu.memory_space<vmem_shared>>) target(%dma_start3A_60 : memref<640x256xbf16, #tpu.memory_space<hbm>>) target_semaphore(%run_scoped3A_58 : memref<!tpu.dma_semaphore, #tpu.memory_space<semaphore_mem>>)
        %dma_wait3A_63 = arith.constant 0 : i32
        %dma_wait3A_64 = tpu.memref_slice %arg6[%mul3A_0, %dma_wait3A_63] : memref<10240x256xbf16, #tpu.memory_space<hbm>> -> memref<640x256xbf16, #tpu.memory_space<hbm>>
        %dma_wait3A_65 = arith.constant 0 : i32
        %dma_wait3A_66 = tpu.memref_slice %arg7[%mul3A_0, %dma_wait3A_65] : memref<10240x256xbf16, #tpu.memory_space<vmem_shared>> -> memref<640x256xbf16, #tpu.memory_space<vmem_shared>>
        tpu.wait_dma2 semaphore(%run_scoped3A_58 : memref<!tpu.dma_semaphore, #tpu.memory_space<semaphore_mem>>) src(%dma_wait3A_66 : memref<640x256xbf16, #tpu.memory_space<vmem_shared>>) dst(%dma_wait3A_64 : memref<640x256xbf16, #tpu.memory_space<hbm>>)
        tpu.yield
      }) : () -> ()
    } else {
    }
    return
  }
}

#map = affine_map<(d0, d1) -> (0, 0)>
module attributes {stable_mosaic.version = 14 : i64} {
  func.func @_agg1_body(%arg0: i32, %arg1: i32, %arg2: memref<10240x128xf32, #tpu.memory_space<hbm>>, %arg3: memref<2x320000xi32, #tpu.memory_space<hbm>>, %arg4: memref<10240x128xf32, #tpu.memory_space<hbm>>, %arg5: memref<10240x16xf32, #tpu.memory_space<hbm>>, %arg6: memref<80x16xf32, #tpu.memory_space<hbm>>, %arg7: memref<10240x128xf32, #tpu.memory_space<hbm>>, %arg8: memref<10240x128xf32, #tpu.memory_space<hbm>>, %arg9: memref<10240x16xf32, #tpu.memory_space<hbm>>, %arg10: memref<10240x16xf32, #tpu.memory_space<hbm>>, %arg11: memref<10240x128xf32, #tpu.memory_space<vmem_shared>>, %arg12: memref<10240x16xf32, #tpu.memory_space<vmem_shared>>, %arg13: memref<2x80xi32, #tpu.memory_space<vmem>>, %arg14: memref<2x80xi32, #tpu.memory_space<vmem>>, %arg15: memref<80x128xf32, #tpu.memory_space<vmem>>, %arg16: memref<80x128xf32, #tpu.memory_space<vmem>>, %arg17: memref<80x16xf32, #tpu.memory_space<vmem>>, %arg18: memref<!tpu.dma_semaphore, #tpu.memory_space<semaphore_mem>>, %arg19: memref<!tpu.dma_semaphore, #tpu.memory_space<semaphore_mem>>, %arg20: memref<!tpu.dma_semaphore, #tpu.memory_space<semaphore_mem>>, %arg21: memref<!tpu.dma_semaphore, #tpu.memory_space<semaphore_mem>>, %arg22: memref<!tpu.dma_semaphore, #tpu.memory_space<semaphore_mem>>) attributes {dimension_semantics = [#tpu.dimension_semantics<core_parallel>, #tpu.dimension_semantics<subcore_parallel>], iteration_bounds = array<i64: 2, 16>, scalar_prefetch = 0 : i64, scratch_operands = 12 : i64, tpu.core_type = #tpu.core_type<sc_vector_subcore>, window_params = [{transform_indices = #map}, {transform_indices = #map}, {transform_indices = #map}, {transform_indices = #map}, {transform_indices = #map}, {transform_indices = #map}, {transform_indices = #map}, {transform_indices = #map}, {transform_indices = #map}]} {
    %mul3A = arith.constant 640 : i32
    %mul3A_0 = arith.muli %arg1, %mul3A : i32
    "tpu.region"() ({
      %run_scoped3A_72 = tpu.sem_alloc : memref<!tpu.dma_semaphore, #tpu.memory_space<semaphore_mem>>
      %dma_start3A_73 = arith.constant 0 : i32
      %dma_start3A_74 = tpu.memref_slice %arg11[%mul3A_0, %dma_start3A_73] : memref<10240x128xf32, #tpu.memory_space<vmem_shared>> -> memref<640x128xf32, #tpu.memory_space<vmem_shared>>
      %dma_start3A_75 = arith.constant 0 : i32
      %dma_start3A_76 = tpu.memref_slice %arg4[%mul3A_0, %dma_start3A_75] : memref<10240x128xf32, #tpu.memory_space<hbm>> -> memref<640x128xf32, #tpu.memory_space<hbm>>
      tpu.enqueue_dma source(%dma_start3A_76 : memref<640x128xf32, #tpu.memory_space<hbm>>) target(%dma_start3A_74 : memref<640x128xf32, #tpu.memory_space<vmem_shared>>) target_semaphore(%run_scoped3A_72 : memref<!tpu.dma_semaphore, #tpu.memory_space<semaphore_mem>>)
      %dma_wait3A_77 = arith.constant 0 : i32
      %dma_wait3A_78 = tpu.memref_slice %arg11[%mul3A_0, %dma_wait3A_77] : memref<10240x128xf32, #tpu.memory_space<vmem_shared>> -> memref<640x128xf32, #tpu.memory_space<vmem_shared>>
      %dma_wait3A_79 = arith.constant 0 : i32
      %dma_wait3A_80 = tpu.memref_slice %arg4[%mul3A_0, %dma_wait3A_79] : memref<10240x128xf32, #tpu.memory_space<hbm>> -> memref<640x128xf32, #tpu.memory_space<hbm>>
      tpu.wait_dma2 semaphore(%run_scoped3A_72 : memref<!tpu.dma_semaphore, #tpu.memory_space<semaphore_mem>>) src(%dma_wait3A_80 : memref<640x128xf32, #tpu.memory_space<hbm>>) dst(%dma_wait3A_78 : memref<640x128xf32, #tpu.memory_space<vmem_shared>>)
      tpu.yield
    }) : () -> ()
    "tpu.region"() ({
      %run_scoped3A_72 = tpu.sem_alloc : memref<!tpu.dma_semaphore, #tpu.memory_space<semaphore_mem>>
      %dma_start3A_73 = arith.constant 0 : i32
      %dma_start3A_74 = tpu.memref_slice %arg12[%mul3A_0, %dma_start3A_73] : memref<10240x16xf32, #tpu.memory_space<vmem_shared>> -> memref<640x16xf32, #tpu.memory_space<vmem_shared>>
      %dma_start3A_75 = arith.constant 0 : i32
      %dma_start3A_76 = tpu.memref_slice %arg5[%mul3A_0, %dma_start3A_75] : memref<10240x16xf32, #tpu.memory_space<hbm>> -> memref<640x16xf32, #tpu.memory_space<hbm>>
      tpu.enqueue_dma source(%dma_start3A_76 : memref<640x16xf32, #tpu.memory_space<hbm>>) target(%dma_start3A_74 : memref<640x16xf32, #tpu.memory_space<vmem_shared>>) target_semaphore(%run_scoped3A_72 : memref<!tpu.dma_semaphore, #tpu.memory_space<semaphore_mem>>)
      %dma_wait3A_77 = arith.constant 0 : i32
      %dma_wait3A_78 = tpu.memref_slice %arg12[%mul3A_0, %dma_wait3A_77] : memref<10240x16xf32, #tpu.memory_space<vmem_shared>> -> memref<640x16xf32, #tpu.memory_space<vmem_shared>>
      %dma_wait3A_79 = arith.constant 0 : i32
      %dma_wait3A_80 = tpu.memref_slice %arg5[%mul3A_0, %dma_wait3A_79] : memref<10240x16xf32, #tpu.memory_space<hbm>> -> memref<640x16xf32, #tpu.memory_space<hbm>>
      tpu.wait_dma2 semaphore(%run_scoped3A_72 : memref<!tpu.dma_semaphore, #tpu.memory_space<semaphore_mem>>) src(%dma_wait3A_80 : memref<640x16xf32, #tpu.memory_space<hbm>>) dst(%dma_wait3A_78 : memref<640x16xf32, #tpu.memory_space<vmem_shared>>)
      tpu.yield
    }) : () -> ()
    "tpu.region"() ({
      %run_scoped3A_72 = tpu.sem_alloc : memref<!tpu.dma_semaphore, #tpu.memory_space<semaphore_mem>>
      tpu.enqueue_dma source(%arg6 : memref<80x16xf32, #tpu.memory_space<hbm>>) target(%arg17 : memref<80x16xf32, #tpu.memory_space<vmem>>) target_semaphore(%run_scoped3A_72 : memref<!tpu.dma_semaphore, #tpu.memory_space<semaphore_mem>>)
      tpu.wait_dma2 semaphore(%run_scoped3A_72 : memref<!tpu.dma_semaphore, #tpu.memory_space<semaphore_mem>>) src(%arg6 : memref<80x16xf32, #tpu.memory_space<hbm>>) dst(%arg17 : memref<80x16xf32, #tpu.memory_space<vmem>>)
      tpu.yield
    }) : () -> ()
    %barrier3A = arith.constant 0 : index
    tpu.barrier barrier_id(%barrier3A)
    %mul3A_1 = arith.constant 16 : i32
    %mul3A_2 = arith.muli %arg0, %mul3A_1 : i32
    %add3A = arith.addi %mul3A_2, %arg1 : i32
    %mul3A_3 = arith.constant 125 : i32
    %mul3A_4 = arith.muli %add3A, %mul3A_3 : i32
    %mul3A_5 = arith.constant 80 : i32
    %mul3A_6 = arith.muli %mul3A_4, %mul3A_5 : i32
    %min3A = arith.constant 0 : i32
    %min3A_7 = arith.constant 124 : i32
    %min3A_8 = arith.minsi %min3A, %min3A_7 : i32
    %mul3A_9 = arith.constant 80 : i32
    %mul3A_10 = arith.muli %min3A_8, %mul3A_9 : i32
    %add3A_11 = arith.addi %mul3A_6, %mul3A_10 : i32
    %dma_start3A = arith.constant 0 : i32
    %dma_start3A_12 = tpu.memref_slice %arg3[%dma_start3A, %add3A_11] : memref<2x320000xi32, #tpu.memory_space<hbm>> -> memref<2x80xi32, #tpu.memory_space<hbm>>
    %dma_start3A_13 = arith.constant 0 : i32
    %dma_start3A_14 = tpu.memref_slice %arg3[%dma_start3A_13, %add3A_11] : memref<2x320000xi32, #tpu.memory_space<hbm>> -> memref<2x80xi32, #tpu.memory_space<hbm>>
    tpu.enqueue_dma source(%dma_start3A_14 : memref<2x80xi32, #tpu.memory_space<hbm>>) target(%arg13 : memref<2x80xi32, #tpu.memory_space<vmem>>) target_semaphore(%arg20 : memref<!tpu.dma_semaphore, #tpu.memory_space<semaphore_mem>>)
    %dma_wait3A = arith.constant 0 : i32
    %dma_wait3A_15 = tpu.memref_slice %arg3[%dma_wait3A, %mul3A_6] : memref<2x320000xi32, #tpu.memory_space<hbm>> -> memref<2x80xi32, #tpu.memory_space<hbm>>
    %dma_wait3A_16 = arith.constant 0 : i32
    %dma_wait3A_17 = tpu.memref_slice %arg3[%dma_wait3A_16, %mul3A_6] : memref<2x320000xi32, #tpu.memory_space<hbm>> -> memref<2x80xi32, #tpu.memory_space<hbm>>
    tpu.wait_dma2 semaphore(%arg20 : memref<!tpu.dma_semaphore, #tpu.memory_space<semaphore_mem>>) src(%dma_wait3A_17 : memref<2x80xi32, #tpu.memory_space<hbm>>) dst(%arg13 : memref<2x80xi32, #tpu.memory_space<vmem>>)
    %dma_start3A_18 = arith.constant 0 : i32
    %dma_start3A_19 = arith.constant 0 : i32
    %dma_start3A_20 = tpu.memref_slice %arg13[%dma_start3A_18, %dma_start3A_19] : memref<2x80xi32, #tpu.memory_space<vmem>> -> memref<1x80xi32, #tpu.memory_space<vmem>>
    %dma_start3A_21 = tpu.memref_squeeze %dma_start3A_20 : memref<1x80xi32, #tpu.memory_space<vmem>> -> memref<80xi32, #tpu.memory_space<vmem>>
    %dma_start3A_22 = arith.constant 0 : i32
    %dma_start3A_23 = arith.constant 0 : i32
    %dma_start3A_24 = tpu.memref_slice %arg2[%dma_start3A_22, %dma_start3A_23] : memref<10240x128xf32, #tpu.memory_space<hbm>> -> memref<10240x128xf32, #tpu.memory_space<hbm>>
    tpu.enqueue_indirect_dma source(%dma_start3A_24 : memref<10240x128xf32, #tpu.memory_space<hbm>>) target(%arg15 : memref<80x128xf32, #tpu.memory_space<vmem>>) offsets(%dma_start3A_21 : memref<80xi32, #tpu.memory_space<vmem>>) semaphore(%arg18 : memref<!tpu.dma_semaphore, #tpu.memory_space<semaphore_mem>>)
    %min3A_25 = arith.constant 1 : i32
    %min3A_26 = arith.constant 124 : i32
    %min3A_27 = arith.minsi %min3A_25, %min3A_26 : i32
    %mul3A_28 = arith.constant 80 : i32
    %mul3A_29 = arith.muli %min3A_27, %mul3A_28 : i32
    %add3A_30 = arith.addi %mul3A_6, %mul3A_29 : i32
    %dma_start3A_31 = arith.constant 0 : i32
    %dma_start3A_32 = tpu.memref_slice %arg3[%dma_start3A_31, %add3A_30] : memref<2x320000xi32, #tpu.memory_space<hbm>> -> memref<2x80xi32, #tpu.memory_space<hbm>>
    %dma_start3A_33 = arith.constant 0 : i32
    %dma_start3A_34 = tpu.memref_slice %arg3[%dma_start3A_33, %add3A_30] : memref<2x320000xi32, #tpu.memory_space<hbm>> -> memref<2x80xi32, #tpu.memory_space<hbm>>
    tpu.enqueue_dma source(%dma_start3A_34 : memref<2x80xi32, #tpu.memory_space<hbm>>) target(%arg14 : memref<2x80xi32, #tpu.memory_space<vmem>>) target_semaphore(%arg21 : memref<!tpu.dma_semaphore, #tpu.memory_space<semaphore_mem>>)
    %scan3A = arith.constant 0 : i32
    %scan3A_35 = arith.constant 62 : i32
    %scan3A_36 = arith.addi %scan3A, %scan3A_35 : i32
    %scan3A_37 = arith.constant 1 : i32
    scf.for %scan3A_72 = %scan3A to %scan3A_36 step %scan3A_37  : i32 {
      %mul3A_73 = arith.constant 1 : i32
      %mul3A_74 = arith.muli %scan3A_72, %mul3A_73 : i32
      %add3A_75 = arith.constant 0 : i32
      %add3A_76 = arith.addi %add3A_75, %mul3A_74 : i32
      %mul3A_77 = arith.constant 2 : i32
      %mul3A_78 = arith.muli %mul3A_77, %add3A_76 : i32
      %dma_wait3A_79 = arith.constant 0 : i32
      %dma_wait3A_80 = tpu.memref_slice %arg3[%dma_wait3A_79, %mul3A_6] : memref<2x320000xi32, #tpu.memory_space<hbm>> -> memref<2x80xi32, #tpu.memory_space<hbm>>
      %dma_wait3A_81 = arith.constant 0 : i32
      %dma_wait3A_82 = tpu.memref_slice %arg3[%dma_wait3A_81, %mul3A_6] : memref<2x320000xi32, #tpu.memory_space<hbm>> -> memref<2x80xi32, #tpu.memory_space<hbm>>
      tpu.wait_dma2 semaphore(%arg21 : memref<!tpu.dma_semaphore, #tpu.memory_space<semaphore_mem>>) src(%dma_wait3A_82 : memref<2x80xi32, #tpu.memory_space<hbm>>) dst(%arg14 : memref<2x80xi32, #tpu.memory_space<vmem>>)
      %dma_start3A_83 = arith.constant 0 : i32
      %dma_start3A_84 = arith.constant 0 : i32
      %dma_start3A_85 = tpu.memref_slice %arg14[%dma_start3A_83, %dma_start3A_84] : memref<2x80xi32, #tpu.memory_space<vmem>> -> memref<1x80xi32, #tpu.memory_space<vmem>>
      %dma_start3A_86 = tpu.memref_squeeze %dma_start3A_85 : memref<1x80xi32, #tpu.memory_space<vmem>> -> memref<80xi32, #tpu.memory_space<vmem>>
      %dma_start3A_87 = arith.constant 0 : i32
      %dma_start3A_88 = arith.constant 0 : i32
      %dma_start3A_89 = tpu.memref_slice %arg2[%dma_start3A_87, %dma_start3A_88] : memref<10240x128xf32, #tpu.memory_space<hbm>> -> memref<10240x128xf32, #tpu.memory_space<hbm>>
      tpu.enqueue_indirect_dma source(%dma_start3A_89 : memref<10240x128xf32, #tpu.memory_space<hbm>>) target(%arg16 : memref<80x128xf32, #tpu.memory_space<vmem>>) offsets(%dma_start3A_86 : memref<80xi32, #tpu.memory_space<vmem>>) semaphore(%arg19 : memref<!tpu.dma_semaphore, #tpu.memory_space<semaphore_mem>>)
      %dma_wait3A_90 = arith.constant 0 : i32
      %dma_wait3A_91 = arith.constant 0 : i32
      %dma_wait3A_92 = tpu.memref_slice %arg13[%dma_wait3A_90, %dma_wait3A_91] : memref<2x80xi32, #tpu.memory_space<vmem>> -> memref<1x80xi32, #tpu.memory_space<vmem>>
      %dma_wait3A_93 = tpu.memref_squeeze %dma_wait3A_92 : memref<1x80xi32, #tpu.memory_space<vmem>> -> memref<80xi32, #tpu.memory_space<vmem>>
      %dma_wait3A_94 = arith.constant 0 : i32
      %dma_wait3A_95 = arith.constant 0 : i32
      %dma_wait3A_96 = tpu.memref_slice %arg2[%dma_wait3A_94, %dma_wait3A_95] : memref<10240x128xf32, #tpu.memory_space<hbm>> -> memref<10240x128xf32, #tpu.memory_space<hbm>>
      tpu.wait_indirect_dma semaphore(%arg18 : memref<!tpu.dma_semaphore, #tpu.memory_space<semaphore_mem>>) src(%dma_wait3A_96 : memref<10240x128xf32, #tpu.memory_space<hbm>>) dst(%arg15 : memref<80x128xf32, #tpu.memory_space<vmem>>)
      %dma_start3A_97 = arith.constant 1 : i32
      %dma_start3A_98 = arith.constant 0 : i32
      %dma_start3A_99 = tpu.memref_slice %arg13[%dma_start3A_97, %dma_start3A_98] : memref<2x80xi32, #tpu.memory_space<vmem>> -> memref<1x80xi32, #tpu.memory_space<vmem>>
      %dma_start3A_100 = tpu.memref_squeeze %dma_start3A_99 : memref<1x80xi32, #tpu.memory_space<vmem>> -> memref<80xi32, #tpu.memory_space<vmem>>
      %dma_start3A_101 = arith.constant 0 : i32
      %dma_start3A_102 = arith.constant 0 : i32
      %dma_start3A_103 = tpu.memref_slice %arg12[%dma_start3A_101, %dma_start3A_102] : memref<10240x16xf32, #tpu.memory_space<vmem_shared>> -> memref<10240x16xf32, #tpu.memory_space<vmem_shared>>
      tpu.enqueue_indirect_dma source(%arg17 : memref<80x16xf32, #tpu.memory_space<vmem>>) target(%dma_start3A_103 : memref<10240x16xf32, #tpu.memory_space<vmem_shared>>) offsets(%dma_start3A_100 : memref<80xi32, #tpu.memory_space<vmem>>) semaphore(%arg22 : memref<!tpu.dma_semaphore, #tpu.memory_space<semaphore_mem>>) {add = true}
      %run_scoped3A_104 = arith.constant 1 : i32
      "tpu.region"() ({
        %run_scoped3A_169 = tpu.sem_alloc : memref<!tpu.dma_semaphore, #tpu.memory_space<semaphore_mem>>
        %dma_start3A_170 = arith.constant 0 : i32
        %dma_start3A_171 = tpu.memref_slice %arg13[%run_scoped3A_104, %dma_start3A_170] : memref<2x80xi32, #tpu.memory_space<vmem>> -> memref<1x80xi32, #tpu.memory_space<vmem>>
        %dma_start3A_172 = tpu.memref_squeeze %dma_start3A_171 : memref<1x80xi32, #tpu.memory_space<vmem>> -> memref<80xi32, #tpu.memory_space<vmem>>
        %dma_start3A_173 = arith.constant 0 : i32
        %dma_start3A_174 = arith.constant 0 : i32
        %dma_start3A_175 = tpu.memref_slice %arg11[%dma_start3A_173, %dma_start3A_174] : memref<10240x128xf32, #tpu.memory_space<vmem_shared>> -> memref<10240x128xf32, #tpu.memory_space<vmem_shared>>
        tpu.enqueue_indirect_dma source(%arg15 : memref<80x128xf32, #tpu.memory_space<vmem>>) target(%dma_start3A_175 : memref<10240x128xf32, #tpu.memory_space<vmem_shared>>) offsets(%dma_start3A_172 : memref<80xi32, #tpu.memory_space<vmem>>) semaphore(%run_scoped3A_169 : memref<!tpu.dma_semaphore, #tpu.memory_space<semaphore_mem>>) {add = true}
        %dma_wait3A_176 = arith.constant 0 : i32
        %dma_wait3A_177 = tpu.memref_slice %arg13[%run_scoped3A_104, %dma_wait3A_176] : memref<2x80xi32, #tpu.memory_space<vmem>> -> memref<1x80xi32, #tpu.memory_space<vmem>>
        %dma_wait3A_178 = tpu.memref_squeeze %dma_wait3A_177 : memref<1x80xi32, #tpu.memory_space<vmem>> -> memref<80xi32, #tpu.memory_space<vmem>>
        %dma_wait3A_179 = arith.constant 0 : i32
        %dma_wait3A_180 = arith.constant 0 : i32
        %dma_wait3A_181 = tpu.memref_slice %arg11[%dma_wait3A_179, %dma_wait3A_180] : memref<10240x128xf32, #tpu.memory_space<vmem_shared>> -> memref<10240x128xf32, #tpu.memory_space<vmem_shared>>
        tpu.wait_indirect_dma semaphore(%run_scoped3A_169 : memref<!tpu.dma_semaphore, #tpu.memory_space<semaphore_mem>>) src(%arg15 : memref<80x128xf32, #tpu.memory_space<vmem>>) dst(%dma_wait3A_181 : memref<10240x128xf32, #tpu.memory_space<vmem_shared>>)
        tpu.yield
      }) : () -> ()
      %dma_wait3A_105 = arith.constant 1 : i32
      %dma_wait3A_106 = arith.constant 0 : i32
      %dma_wait3A_107 = tpu.memref_slice %arg13[%dma_wait3A_105, %dma_wait3A_106] : memref<2x80xi32, #tpu.memory_space<vmem>> -> memref<1x80xi32, #tpu.memory_space<vmem>>
      %dma_wait3A_108 = tpu.memref_squeeze %dma_wait3A_107 : memref<1x80xi32, #tpu.memory_space<vmem>> -> memref<80xi32, #tpu.memory_space<vmem>>
      %dma_wait3A_109 = arith.constant 0 : i32
      %dma_wait3A_110 = arith.constant 0 : i32
      %dma_wait3A_111 = tpu.memref_slice %arg12[%dma_wait3A_109, %dma_wait3A_110] : memref<10240x16xf32, #tpu.memory_space<vmem_shared>> -> memref<10240x16xf32, #tpu.memory_space<vmem_shared>>
      tpu.wait_indirect_dma semaphore(%arg22 : memref<!tpu.dma_semaphore, #tpu.memory_space<semaphore_mem>>) src(%arg17 : memref<80x16xf32, #tpu.memory_space<vmem>>) dst(%dma_wait3A_111 : memref<10240x16xf32, #tpu.memory_space<vmem_shared>>)
      %add3A_112 = arith.constant 2 : i32
      %add3A_113 = arith.addi %mul3A_78, %add3A_112 : i32
      %min3A_114 = arith.constant 124 : i32
      %min3A_115 = arith.minsi %add3A_113, %min3A_114 : i32
      %mul3A_116 = arith.constant 80 : i32
      %mul3A_117 = arith.muli %min3A_115, %mul3A_116 : i32
      %add3A_118 = arith.addi %mul3A_6, %mul3A_117 : i32
      %dma_start3A_119 = arith.constant 0 : i32
      %dma_start3A_120 = tpu.memref_slice %arg3[%dma_start3A_119, %add3A_118] : memref<2x320000xi32, #tpu.memory_space<hbm>> -> memref<2x80xi32, #tpu.memory_space<hbm>>
      %dma_start3A_121 = arith.constant 0 : i32
      %dma_start3A_122 = tpu.memref_slice %arg3[%dma_start3A_121, %add3A_118] : memref<2x320000xi32, #tpu.memory_space<hbm>> -> memref<2x80xi32, #tpu.memory_space<hbm>>
      tpu.enqueue_dma source(%dma_start3A_122 : memref<2x80xi32, #tpu.memory_space<hbm>>) target(%arg13 : memref<2x80xi32, #tpu.memory_space<vmem>>) target_semaphore(%arg20 : memref<!tpu.dma_semaphore, #tpu.memory_space<semaphore_mem>>)
      %add3A_123 = arith.constant 1 : i32
      %add3A_124 = arith.addi %mul3A_78, %add3A_123 : i32
      %dma_wait3A_125 = arith.constant 0 : i32
      %dma_wait3A_126 = tpu.memref_slice %arg3[%dma_wait3A_125, %mul3A_6] : memref<2x320000xi32, #tpu.memory_space<hbm>> -> memref<2x80xi32, #tpu.memory_space<hbm>>
      %dma_wait3A_127 = arith.constant 0 : i32
      %dma_wait3A_128 = tpu.memref_slice %arg3[%dma_wait3A_127, %mul3A_6] : memref<2x320000xi32, #tpu.memory_space<hbm>> -> memref<2x80xi32, #tpu.memory_space<hbm>>
      tpu.wait_dma2 semaphore(%arg20 : memref<!tpu.dma_semaphore, #tpu.memory_space<semaphore_mem>>) src(%dma_wait3A_128 : memref<2x80xi32, #tpu.memory_space<hbm>>) dst(%arg13 : memref<2x80xi32, #tpu.memory_space<vmem>>)
      %dma_start3A_129 = arith.constant 0 : i32
      %dma_start3A_130 = arith.constant 0 : i32
      %dma_start3A_131 = tpu.memref_slice %arg13[%dma_start3A_129, %dma_start3A_130] : memref<2x80xi32, #tpu.memory_space<vmem>> -> memref<1x80xi32, #tpu.memory_space<vmem>>
      %dma_start3A_132 = tpu.memref_squeeze %dma_start3A_131 : memref<1x80xi32, #tpu.memory_space<vmem>> -> memref<80xi32, #tpu.memory_space<vmem>>
      %dma_start3A_133 = arith.constant 0 : i32
      %dma_start3A_134 = arith.constant 0 : i32
      %dma_start3A_135 = tpu.memref_slice %arg2[%dma_start3A_133, %dma_start3A_134] : memref<10240x128xf32, #tpu.memory_space<hbm>> -> memref<10240x128xf32, #tpu.memory_space<hbm>>
      tpu.enqueue_indirect_dma source(%dma_start3A_135 : memref<10240x128xf32, #tpu.memory_space<hbm>>) target(%arg15 : memref<80x128xf32, #tpu.memory_space<vmem>>) offsets(%dma_start3A_132 : memref<80xi32, #tpu.memory_space<vmem>>) semaphore(%arg18 : memref<!tpu.dma_semaphore, #tpu.memory_space<semaphore_mem>>)
      %dma_wait3A_136 = arith.constant 0 : i32
      %dma_wait3A_137 = arith.constant 0 : i32
      %dma_wait3A_138 = tpu.memref_slice %arg14[%dma_wait3A_136, %dma_wait3A_137] : memref<2x80xi32, #tpu.memory_space<vmem>> -> memref<1x80xi32, #tpu.memory_space<vmem>>
      %dma_wait3A_139 = tpu.memref_squeeze %dma_wait3A_138 : memref<1x80xi32, #tpu.memory_space<vmem>> -> memref<80xi32, #tpu.memory_space<vmem>>
      %dma_wait3A_140 = arith.constant 0 : i32
      %dma_wait3A_141 = arith.constant 0 : i32
      %dma_wait3A_142 = tpu.memref_slice %arg2[%dma_wait3A_140, %dma_wait3A_141] : memref<10240x128xf32, #tpu.memory_space<hbm>> -> memref<10240x128xf32, #tpu.memory_space<hbm>>
      tpu.wait_indirect_dma semaphore(%arg19 : memref<!tpu.dma_semaphore, #tpu.memory_space<semaphore_mem>>) src(%dma_wait3A_142 : memref<10240x128xf32, #tpu.memory_space<hbm>>) dst(%arg16 : memref<80x128xf32, #tpu.memory_space<vmem>>)
      %dma_start3A_143 = arith.constant 1 : i32
      %dma_start3A_144 = arith.constant 0 : i32
      %dma_start3A_145 = tpu.memref_slice %arg14[%dma_start3A_143, %dma_start3A_144] : memref<2x80xi32, #tpu.memory_space<vmem>> -> memref<1x80xi32, #tpu.memory_space<vmem>>
      %dma_start3A_146 = tpu.memref_squeeze %dma_start3A_145 : memref<1x80xi32, #tpu.memory_space<vmem>> -> memref<80xi32, #tpu.memory_space<vmem>>
      %dma_start3A_147 = arith.constant 0 : i32
      %dma_start3A_148 = arith.constant 0 : i32
      %dma_start3A_149 = tpu.memref_slice %arg12[%dma_start3A_147, %dma_start3A_148] : memref<10240x16xf32, #tpu.memory_space<vmem_shared>> -> memref<10240x16xf32, #tpu.memory_space<vmem_shared>>
      tpu.enqueue_indirect_dma source(%arg17 : memref<80x16xf32, #tpu.memory_space<vmem>>) target(%dma_start3A_149 : memref<10240x16xf32, #tpu.memory_space<vmem_shared>>) offsets(%dma_start3A_146 : memref<80xi32, #tpu.memory_space<vmem>>) semaphore(%arg22 : memref<!tpu.dma_semaphore, #tpu.memory_space<semaphore_mem>>) {add = true}
      %run_scoped3A_150 = arith.constant 1 : i32
      "tpu.region"() ({
        %run_scoped3A_169 = tpu.sem_alloc : memref<!tpu.dma_semaphore, #tpu.memory_space<semaphore_mem>>
        %dma_start3A_170 = arith.constant 0 : i32
        %dma_start3A_171 = tpu.memref_slice %arg14[%run_scoped3A_150, %dma_start3A_170] : memref<2x80xi32, #tpu.memory_space<vmem>> -> memref<1x80xi32, #tpu.memory_space<vmem>>
        %dma_start3A_172 = tpu.memref_squeeze %dma_start3A_171 : memref<1x80xi32, #tpu.memory_space<vmem>> -> memref<80xi32, #tpu.memory_space<vmem>>
        %dma_start3A_173 = arith.constant 0 : i32
        %dma_start3A_174 = arith.constant 0 : i32
        %dma_start3A_175 = tpu.memref_slice %arg11[%dma_start3A_173, %dma_start3A_174] : memref<10240x128xf32, #tpu.memory_space<vmem_shared>> -> memref<10240x128xf32, #tpu.memory_space<vmem_shared>>
        tpu.enqueue_indirect_dma source(%arg16 : memref<80x128xf32, #tpu.memory_space<vmem>>) target(%dma_start3A_175 : memref<10240x128xf32, #tpu.memory_space<vmem_shared>>) offsets(%dma_start3A_172 : memref<80xi32, #tpu.memory_space<vmem>>) semaphore(%run_scoped3A_169 : memref<!tpu.dma_semaphore, #tpu.memory_space<semaphore_mem>>) {add = true}
        %dma_wait3A_176 = arith.constant 0 : i32
        %dma_wait3A_177 = tpu.memref_slice %arg14[%run_scoped3A_150, %dma_wait3A_176] : memref<2x80xi32, #tpu.memory_space<vmem>> -> memref<1x80xi32, #tpu.memory_space<vmem>>
        %dma_wait3A_178 = tpu.memref_squeeze %dma_wait3A_177 : memref<1x80xi32, #tpu.memory_space<vmem>> -> memref<80xi32, #tpu.memory_space<vmem>>
        %dma_wait3A_179 = arith.constant 0 : i32
        %dma_wait3A_180 = arith.constant 0 : i32
        %dma_wait3A_181 = tpu.memref_slice %arg11[%dma_wait3A_179, %dma_wait3A_180] : memref<10240x128xf32, #tpu.memory_space<vmem_shared>> -> memref<10240x128xf32, #tpu.memory_space<vmem_shared>>
        tpu.wait_indirect_dma semaphore(%run_scoped3A_169 : memref<!tpu.dma_semaphore, #tpu.memory_space<semaphore_mem>>) src(%arg16 : memref<80x128xf32, #tpu.memory_space<vmem>>) dst(%dma_wait3A_181 : memref<10240x128xf32, #tpu.memory_space<vmem_shared>>)
        tpu.yield
      }) : () -> ()
      %dma_wait3A_151 = arith.constant 1 : i32
      %dma_wait3A_152 = arith.constant 0 : i32
      %dma_wait3A_153 = tpu.memref_slice %arg14[%dma_wait3A_151, %dma_wait3A_152] : memref<2x80xi32, #tpu.memory_space<vmem>> -> memref<1x80xi32, #tpu.memory_space<vmem>>
      %dma_wait3A_154 = tpu.memref_squeeze %dma_wait3A_153 : memref<1x80xi32, #tpu.memory_space<vmem>> -> memref<80xi32, #tpu.memory_space<vmem>>
      %dma_wait3A_155 = arith.constant 0 : i32
      %dma_wait3A_156 = arith.constant 0 : i32
      %dma_wait3A_157 = tpu.memref_slice %arg12[%dma_wait3A_155, %dma_wait3A_156] : memref<10240x16xf32, #tpu.memory_space<vmem_shared>> -> memref<10240x16xf32, #tpu.memory_space<vmem_shared>>
      tpu.wait_indirect_dma semaphore(%arg22 : memref<!tpu.dma_semaphore, #tpu.memory_space<semaphore_mem>>) src(%arg17 : memref<80x16xf32, #tpu.memory_space<vmem>>) dst(%dma_wait3A_157 : memref<10240x16xf32, #tpu.memory_space<vmem_shared>>)
      %add3A_158 = arith.constant 2 : i32
      %add3A_159 = arith.addi %add3A_124, %add3A_158 : i32
      %min3A_160 = arith.constant 124 : i32
      %min3A_161 = arith.minsi %add3A_159, %min3A_160 : i32
      %mul3A_162 = arith.constant 80 : i32
      %mul3A_163 = arith.muli %min3A_161, %mul3A_162 : i32
      %add3A_164 = arith.addi %mul3A_6, %mul3A_163 : i32
      %dma_start3A_165 = arith.constant 0 : i32
      %dma_start3A_166 = tpu.memref_slice %arg3[%dma_start3A_165, %add3A_164] : memref<2x320000xi32, #tpu.memory_space<hbm>> -> memref<2x80xi32, #tpu.memory_space<hbm>>
      %dma_start3A_167 = arith.constant 0 : i32
      %dma_start3A_168 = tpu.memref_slice %arg3[%dma_start3A_167, %add3A_164] : memref<2x320000xi32, #tpu.memory_space<hbm>> -> memref<2x80xi32, #tpu.memory_space<hbm>>
      tpu.enqueue_dma source(%dma_start3A_168 : memref<2x80xi32, #tpu.memory_space<hbm>>) target(%arg14 : memref<2x80xi32, #tpu.memory_space<vmem>>) target_semaphore(%arg21 : memref<!tpu.dma_semaphore, #tpu.memory_space<semaphore_mem>>)
    }
    %scan3A_38 = arith.constant 62 : i32
    %dma_wait3A_39 = arith.constant 0 : i32
    %dma_wait3A_40 = arith.constant 0 : i32
    %dma_wait3A_41 = tpu.memref_slice %arg13[%dma_wait3A_39, %dma_wait3A_40] : memref<2x80xi32, #tpu.memory_space<vmem>> -> memref<1x80xi32, #tpu.memory_space<vmem>>
    %dma_wait3A_42 = tpu.memref_squeeze %dma_wait3A_41 : memref<1x80xi32, #tpu.memory_space<vmem>> -> memref<80xi32, #tpu.memory_space<vmem>>
    %dma_wait3A_43 = arith.constant 0 : i32
    %dma_wait3A_44 = arith.constant 0 : i32
    %dma_wait3A_45 = tpu.memref_slice %arg2[%dma_wait3A_43, %dma_wait3A_44] : memref<10240x128xf32, #tpu.memory_space<hbm>> -> memref<10240x128xf32, #tpu.memory_space<hbm>>
    tpu.wait_indirect_dma semaphore(%arg18 : memref<!tpu.dma_semaphore, #tpu.memory_space<semaphore_mem>>) src(%dma_wait3A_45 : memref<10240x128xf32, #tpu.memory_space<hbm>>) dst(%arg15 : memref<80x128xf32, #tpu.memory_space<vmem>>)
    %dma_start3A_46 = arith.constant 1 : i32
    %dma_start3A_47 = arith.constant 0 : i32
    %dma_start3A_48 = tpu.memref_slice %arg13[%dma_start3A_46, %dma_start3A_47] : memref<2x80xi32, #tpu.memory_space<vmem>> -> memref<1x80xi32, #tpu.memory_space<vmem>>
    %dma_start3A_49 = tpu.memref_squeeze %dma_start3A_48 : memref<1x80xi32, #tpu.memory_space<vmem>> -> memref<80xi32, #tpu.memory_space<vmem>>
    %dma_start3A_50 = arith.constant 0 : i32
    %dma_start3A_51 = arith.constant 0 : i32
    %dma_start3A_52 = tpu.memref_slice %arg12[%dma_start3A_50, %dma_start3A_51] : memref<10240x16xf32, #tpu.memory_space<vmem_shared>> -> memref<10240x16xf32, #tpu.memory_space<vmem_shared>>
    tpu.enqueue_indirect_dma source(%arg17 : memref<80x16xf32, #tpu.memory_space<vmem>>) target(%dma_start3A_52 : memref<10240x16xf32, #tpu.memory_space<vmem_shared>>) offsets(%dma_start3A_49 : memref<80xi32, #tpu.memory_space<vmem>>) semaphore(%arg22 : memref<!tpu.dma_semaphore, #tpu.memory_space<semaphore_mem>>) {add = true}
    %run_scoped3A = arith.constant 1 : i32
    "tpu.region"() ({
      %run_scoped3A_72 = tpu.sem_alloc : memref<!tpu.dma_semaphore, #tpu.memory_space<semaphore_mem>>
      %dma_start3A_73 = arith.constant 0 : i32
      %dma_start3A_74 = tpu.memref_slice %arg13[%run_scoped3A, %dma_start3A_73] : memref<2x80xi32, #tpu.memory_space<vmem>> -> memref<1x80xi32, #tpu.memory_space<vmem>>
      %dma_start3A_75 = tpu.memref_squeeze %dma_start3A_74 : memref<1x80xi32, #tpu.memory_space<vmem>> -> memref<80xi32, #tpu.memory_space<vmem>>
      %dma_start3A_76 = arith.constant 0 : i32
      %dma_start3A_77 = arith.constant 0 : i32
      %dma_start3A_78 = tpu.memref_slice %arg11[%dma_start3A_76, %dma_start3A_77] : memref<10240x128xf32, #tpu.memory_space<vmem_shared>> -> memref<10240x128xf32, #tpu.memory_space<vmem_shared>>
      tpu.enqueue_indirect_dma source(%arg15 : memref<80x128xf32, #tpu.memory_space<vmem>>) target(%dma_start3A_78 : memref<10240x128xf32, #tpu.memory_space<vmem_shared>>) offsets(%dma_start3A_75 : memref<80xi32, #tpu.memory_space<vmem>>) semaphore(%run_scoped3A_72 : memref<!tpu.dma_semaphore, #tpu.memory_space<semaphore_mem>>) {add = true}
      %dma_wait3A_79 = arith.constant 0 : i32
      %dma_wait3A_80 = tpu.memref_slice %arg13[%run_scoped3A, %dma_wait3A_79] : memref<2x80xi32, #tpu.memory_space<vmem>> -> memref<1x80xi32, #tpu.memory_space<vmem>>
      %dma_wait3A_81 = tpu.memref_squeeze %dma_wait3A_80 : memref<1x80xi32, #tpu.memory_space<vmem>> -> memref<80xi32, #tpu.memory_space<vmem>>
      %dma_wait3A_82 = arith.constant 0 : i32
      %dma_wait3A_83 = arith.constant 0 : i32
      %dma_wait3A_84 = tpu.memref_slice %arg11[%dma_wait3A_82, %dma_wait3A_83] : memref<10240x128xf32, #tpu.memory_space<vmem_shared>> -> memref<10240x128xf32, #tpu.memory_space<vmem_shared>>
      tpu.wait_indirect_dma semaphore(%run_scoped3A_72 : memref<!tpu.dma_semaphore, #tpu.memory_space<semaphore_mem>>) src(%arg15 : memref<80x128xf32, #tpu.memory_space<vmem>>) dst(%dma_wait3A_84 : memref<10240x128xf32, #tpu.memory_space<vmem_shared>>)
      tpu.yield
    }) : () -> ()
    %dma_wait3A_53 = arith.constant 1 : i32
    %dma_wait3A_54 = arith.constant 0 : i32
    %dma_wait3A_55 = tpu.memref_slice %arg13[%dma_wait3A_53, %dma_wait3A_54] : memref<2x80xi32, #tpu.memory_space<vmem>> -> memref<1x80xi32, #tpu.memory_space<vmem>>
    %dma_wait3A_56 = tpu.memref_squeeze %dma_wait3A_55 : memref<1x80xi32, #tpu.memory_space<vmem>> -> memref<80xi32, #tpu.memory_space<vmem>>
    %dma_wait3A_57 = arith.constant 0 : i32
    %dma_wait3A_58 = arith.constant 0 : i32
    %dma_wait3A_59 = tpu.memref_slice %arg12[%dma_wait3A_57, %dma_wait3A_58] : memref<10240x16xf32, #tpu.memory_space<vmem_shared>> -> memref<10240x16xf32, #tpu.memory_space<vmem_shared>>
    tpu.wait_indirect_dma semaphore(%arg22 : memref<!tpu.dma_semaphore, #tpu.memory_space<semaphore_mem>>) src(%arg17 : memref<80x16xf32, #tpu.memory_space<vmem>>) dst(%dma_wait3A_59 : memref<10240x16xf32, #tpu.memory_space<vmem_shared>>)
    %dma_wait3A_60 = arith.constant 0 : i32
    %dma_wait3A_61 = tpu.memref_slice %arg3[%dma_wait3A_60, %mul3A_6] : memref<2x320000xi32, #tpu.memory_space<hbm>> -> memref<2x80xi32, #tpu.memory_space<hbm>>
    %dma_wait3A_62 = arith.constant 0 : i32
    %dma_wait3A_63 = tpu.memref_slice %arg3[%dma_wait3A_62, %mul3A_6] : memref<2x320000xi32, #tpu.memory_space<hbm>> -> memref<2x80xi32, #tpu.memory_space<hbm>>
    tpu.wait_dma2 semaphore(%arg21 : memref<!tpu.dma_semaphore, #tpu.memory_space<semaphore_mem>>) src(%dma_wait3A_63 : memref<2x80xi32, #tpu.memory_space<hbm>>) dst(%arg14 : memref<2x80xi32, #tpu.memory_space<vmem>>)
    %barrier3A_64 = arith.constant 0 : index
    tpu.barrier barrier_id(%barrier3A_64)
    %eq3A = arith.constant 0 : i32
    %eq3A_65 = arith.cmpi eq, %arg0, %eq3A : i32
    %convert_element_type3A = arith.extui %eq3A_65 : i1 to i32
    %cond3A = arith.constant 0 : i32
    %cond3A_66 = arith.cmpi ne, %convert_element_type3A, %cond3A : i32
    scf.if %cond3A_66 {
      "tpu.region"() ({
        %run_scoped3A_72 = tpu.sem_alloc : memref<!tpu.dma_semaphore, #tpu.memory_space<semaphore_mem>>
        %dma_start3A_73 = arith.constant 0 : i32
        %dma_start3A_74 = tpu.memref_slice %arg7[%mul3A_0, %dma_start3A_73] : memref<10240x128xf32, #tpu.memory_space<hbm>> -> memref<640x128xf32, #tpu.memory_space<hbm>>
        %dma_start3A_75 = arith.constant 0 : i32
        %dma_start3A_76 = tpu.memref_slice %arg11[%mul3A_0, %dma_start3A_75] : memref<10240x128xf32, #tpu.memory_space<vmem_shared>> -> memref<640x128xf32, #tpu.memory_space<vmem_shared>>
        tpu.enqueue_dma source(%dma_start3A_76 : memref<640x128xf32, #tpu.memory_space<vmem_shared>>) target(%dma_start3A_74 : memref<640x128xf32, #tpu.memory_space<hbm>>) target_semaphore(%run_scoped3A_72 : memref<!tpu.dma_semaphore, #tpu.memory_space<semaphore_mem>>)
        %dma_wait3A_77 = arith.constant 0 : i32
        %dma_wait3A_78 = tpu.memref_slice %arg7[%mul3A_0, %dma_wait3A_77] : memref<10240x128xf32, #tpu.memory_space<hbm>> -> memref<640x128xf32, #tpu.memory_space<hbm>>
        %dma_wait3A_79 = arith.constant 0 : i32
        %dma_wait3A_80 = tpu.memref_slice %arg11[%mul3A_0, %dma_wait3A_79] : memref<10240x128xf32, #tpu.memory_space<vmem_shared>> -> memref<640x128xf32, #tpu.memory_space<vmem_shared>>
        tpu.wait_dma2 semaphore(%run_scoped3A_72 : memref<!tpu.dma_semaphore, #tpu.memory_space<semaphore_mem>>) src(%dma_wait3A_80 : memref<640x128xf32, #tpu.memory_space<vmem_shared>>) dst(%dma_wait3A_78 : memref<640x128xf32, #tpu.memory_space<hbm>>)
        tpu.yield
      }) : () -> ()
      "tpu.region"() ({
        %run_scoped3A_72 = tpu.sem_alloc : memref<!tpu.dma_semaphore, #tpu.memory_space<semaphore_mem>>
        %dma_start3A_73 = arith.constant 0 : i32
        %dma_start3A_74 = tpu.memref_slice %arg9[%mul3A_0, %dma_start3A_73] : memref<10240x16xf32, #tpu.memory_space<hbm>> -> memref<640x16xf32, #tpu.memory_space<hbm>>
        %dma_start3A_75 = arith.constant 0 : i32
        %dma_start3A_76 = tpu.memref_slice %arg12[%mul3A_0, %dma_start3A_75] : memref<10240x16xf32, #tpu.memory_space<vmem_shared>> -> memref<640x16xf32, #tpu.memory_space<vmem_shared>>
        tpu.enqueue_dma source(%dma_start3A_76 : memref<640x16xf32, #tpu.memory_space<vmem_shared>>) target(%dma_start3A_74 : memref<640x16xf32, #tpu.memory_space<hbm>>) target_semaphore(%run_scoped3A_72 : memref<!tpu.dma_semaphore, #tpu.memory_space<semaphore_mem>>)
        %dma_wait3A_77 = arith.constant 0 : i32
        %dma_wait3A_78 = tpu.memref_slice %arg9[%mul3A_0, %dma_wait3A_77] : memref<10240x16xf32, #tpu.memory_space<hbm>> -> memref<640x16xf32, #tpu.memory_space<hbm>>
        %dma_wait3A_79 = arith.constant 0 : i32
        %dma_wait3A_80 = tpu.memref_slice %arg12[%mul3A_0, %dma_wait3A_79] : memref<10240x16xf32, #tpu.memory_space<vmem_shared>> -> memref<640x16xf32, #tpu.memory_space<vmem_shared>>
        tpu.wait_dma2 semaphore(%run_scoped3A_72 : memref<!tpu.dma_semaphore, #tpu.memory_space<semaphore_mem>>) src(%dma_wait3A_80 : memref<640x16xf32, #tpu.memory_space<vmem_shared>>) dst(%dma_wait3A_78 : memref<640x16xf32, #tpu.memory_space<hbm>>)
        tpu.yield
      }) : () -> ()
    } else {
    }
    %eq3A_67 = arith.constant 1 : i32
    %eq3A_68 = arith.cmpi eq, %arg0, %eq3A_67 : i32
    %convert_element_type3A_69 = arith.extui %eq3A_68 : i1 to i32
    %cond3A_70 = arith.constant 0 : i32
    %cond3A_71 = arith.cmpi ne, %convert_element_type3A_69, %cond3A_70 : i32
    scf.if %cond3A_71 {
      "tpu.region"() ({
        %run_scoped3A_72 = tpu.sem_alloc : memref<!tpu.dma_semaphore, #tpu.memory_space<semaphore_mem>>
        %dma_start3A_73 = arith.constant 0 : i32
        %dma_start3A_74 = tpu.memref_slice %arg8[%mul3A_0, %dma_start3A_73] : memref<10240x128xf32, #tpu.memory_space<hbm>> -> memref<640x128xf32, #tpu.memory_space<hbm>>
        %dma_start3A_75 = arith.constant 0 : i32
        %dma_start3A_76 = tpu.memref_slice %arg11[%mul3A_0, %dma_start3A_75] : memref<10240x128xf32, #tpu.memory_space<vmem_shared>> -> memref<640x128xf32, #tpu.memory_space<vmem_shared>>
        tpu.enqueue_dma source(%dma_start3A_76 : memref<640x128xf32, #tpu.memory_space<vmem_shared>>) target(%dma_start3A_74 : memref<640x128xf32, #tpu.memory_space<hbm>>) target_semaphore(%run_scoped3A_72 : memref<!tpu.dma_semaphore, #tpu.memory_space<semaphore_mem>>)
        %dma_wait3A_77 = arith.constant 0 : i32
        %dma_wait3A_78 = tpu.memref_slice %arg8[%mul3A_0, %dma_wait3A_77] : memref<10240x128xf32, #tpu.memory_space<hbm>> -> memref<640x128xf32, #tpu.memory_space<hbm>>
        %dma_wait3A_79 = arith.constant 0 : i32
        %dma_wait3A_80 = tpu.memref_slice %arg11[%mul3A_0, %dma_wait3A_79] : memref<10240x128xf32, #tpu.memory_space<vmem_shared>> -> memref<640x128xf32, #tpu.memory_space<vmem_shared>>
        tpu.wait_dma2 semaphore(%run_scoped3A_72 : memref<!tpu.dma_semaphore, #tpu.memory_space<semaphore_mem>>) src(%dma_wait3A_80 : memref<640x128xf32, #tpu.memory_space<vmem_shared>>) dst(%dma_wait3A_78 : memref<640x128xf32, #tpu.memory_space<hbm>>)
        tpu.yield
      }) : () -> ()
      "tpu.region"() ({
        %run_scoped3A_72 = tpu.sem_alloc : memref<!tpu.dma_semaphore, #tpu.memory_space<semaphore_mem>>
        %dma_start3A_73 = arith.constant 0 : i32
        %dma_start3A_74 = tpu.memref_slice %arg10[%mul3A_0, %dma_start3A_73] : memref<10240x16xf32, #tpu.memory_space<hbm>> -> memref<640x16xf32, #tpu.memory_space<hbm>>
        %dma_start3A_75 = arith.constant 0 : i32
        %dma_start3A_76 = tpu.memref_slice %arg12[%mul3A_0, %dma_start3A_75] : memref<10240x16xf32, #tpu.memory_space<vmem_shared>> -> memref<640x16xf32, #tpu.memory_space<vmem_shared>>
        tpu.enqueue_dma source(%dma_start3A_76 : memref<640x16xf32, #tpu.memory_space<vmem_shared>>) target(%dma_start3A_74 : memref<640x16xf32, #tpu.memory_space<hbm>>) target_semaphore(%run_scoped3A_72 : memref<!tpu.dma_semaphore, #tpu.memory_space<semaphore_mem>>)
        %dma_wait3A_77 = arith.constant 0 : i32
        %dma_wait3A_78 = tpu.memref_slice %arg10[%mul3A_0, %dma_wait3A_77] : memref<10240x16xf32, #tpu.memory_space<hbm>> -> memref<640x16xf32, #tpu.memory_space<hbm>>
        %dma_wait3A_79 = arith.constant 0 : i32
        %dma_wait3A_80 = tpu.memref_slice %arg12[%mul3A_0, %dma_wait3A_79] : memref<10240x16xf32, #tpu.memory_space<vmem_shared>> -> memref<640x16xf32, #tpu.memory_space<vmem_shared>>
        tpu.wait_dma2 semaphore(%run_scoped3A_72 : memref<!tpu.dma_semaphore, #tpu.memory_space<semaphore_mem>>) src(%dma_wait3A_80 : memref<640x16xf32, #tpu.memory_space<vmem_shared>>) dst(%dma_wait3A_78 : memref<640x16xf32, #tpu.memory_space<hbm>>)
        tpu.yield
      }) : () -> ()
    } else {
    }
    return
  }
}

module attributes {stable_mosaic.version = 14 : i64} {
  func.func @_xr_body(%arg0: i32, %arg1: memref<2048x128xf32, #tpu.memory_space<vmem>>, %arg2: memref<128x256xf32, #tpu.memory_space<vmem>>, %arg3: memref<1x256xf32, #tpu.memory_space<vmem>>, %arg4: memref<2048x256xf32, #tpu.memory_space<vmem>>) attributes {dimension_semantics = [#tpu.dimension_semantics<arbitrary>], iteration_bounds = array<i64: 5>, scalar_prefetch = 0 : i64, scratch_operands = 0 : i64, tpu.core_type = #tpu.core_type<tc>, window_params = [{transform_indices = @transform_0, window_bounds = array<i64: 2048, 128>}, {pipeline_mode = #tpu.pipeline_mode<synchronous>, transform_indices = @transform_1, window_bounds = array<i64: 128, 256>}, {pipeline_mode = #tpu.pipeline_mode<synchronous>, transform_indices = @transform_2, window_bounds = array<i64: 1, 256>}, {transform_indices = @transform_3, window_bounds = array<i64: 2048, 256>}]} {
    %get3A = arith.constant 0 : index
    %get3A_0 = arith.constant 0 : index
    %get3A_1 = vector.load %arg1[%get3A, %get3A_0] : memref<2048x128xf32, #tpu.memory_space<vmem>>, vector<2048x128xf32>
    %get3A_2 = arith.constant 0 : index
    %get3A_3 = arith.constant 0 : index
    %get3A_4 = vector.load %arg2[%get3A_2, %get3A_3] : memref<128x256xf32, #tpu.memory_space<vmem>>, vector<128x256xf32>
    %dot_general3A = arith.constant dense<0.000000e+00> : vector<2048x256xf32>
    %dot_general3A_5 = tpu.matmul %get3A_1, %get3A_4, %dot_general3A {dimension_numbers = #tpu.dot_dimension_numbers<[1], [0], [0], [1], [0, 0, 1, 1], [], []>, transpose_lhs_hint = false} : vector<2048x128xf32>, vector<128x256xf32>, vector<2048x256xf32> -> vector<2048x256xf32>
    %get3A_6 = arith.constant 0 : index
    %get3A_7 = arith.constant 0 : index
    %get3A_8 = vector.load %arg3[%get3A_6, %get3A_7] : memref<1x256xf32, #tpu.memory_space<vmem>>, vector<1x256xf32>
    %add3A = vector.broadcast %get3A_8 : vector<1x256xf32> to vector<2048x256xf32>
    %add3A_9 = arith.addf %dot_general3A_5, %add3A : vector<2048x256xf32>
    %swap3A = arith.constant 0 : index
    %swap3A_10 = arith.constant 0 : index
    %swap3A_11 = vector.load %arg4[%swap3A, %swap3A_10] : memref<2048x256xf32, #tpu.memory_space<vmem>>, vector<2048x256xf32>
    tpu.vector_store %arg4[%swap3A, %swap3A_10], %add3A_9 {strides = array<i32>} : memref<2048x256xf32, #tpu.memory_space<vmem>>, vector<2048x256xf32>,
    return
  }
  func.func @transform_0(%arg0: i32) -> (i32, i32) {
    %c0_i32 = arith.constant 0 : i32
    %c0_i32_0 = arith.constant 0 : i32
    return %arg0, %c0_i32 : i32, i32
  }
  func.func @transform_1(%arg0: i32) -> (i32, i32) {
    %c0_i32 = arith.constant 0 : i32
    %c0_i32_0 = arith.constant 0 : i32
    %c0_i32_1 = arith.constant 0 : i32
    return %c0_i32, %c0_i32_0 : i32, i32
  }
  func.func @transform_2(%arg0: i32) -> (i32, i32) {
    %c0_i32 = arith.constant 0 : i32
    %c0_i32_0 = arith.constant 0 : i32
    %c0_i32_1 = arith.constant 0 : i32
    return %c0_i32, %c0_i32_0 : i32, i32
  }
  func.func @transform_3(%arg0: i32) -> (i32, i32) {
    %c0_i32 = arith.constant 0 : i32
    %c0_i32_0 = arith.constant 0 : i32
    return %arg0, %c0_i32 : i32, i32
  }
}

module attributes {stable_mosaic.version = 14 : i64} {
  func.func @_l1_post_body(%arg0: i32, %arg1: memref<2048x128xf32, #tpu.memory_space<vmem>>, %arg2: memref<2048x128xf32, #tpu.memory_space<vmem>>, %arg3: memref<2048x16xf32, #tpu.memory_space<vmem>>, %arg4: memref<2048x16xf32, #tpu.memory_space<vmem>>, %arg5: memref<2048x256xf32, #tpu.memory_space<vmem>>, %arg6: memref<128x256xf32, #tpu.memory_space<vmem>>, %arg7: memref<2048x128xf32, #tpu.memory_space<vmem>>, %arg8: memref<2048x128xf32, #tpu.memory_space<vmem>>, %arg9: memref<2048x256xbf16, #tpu.memory_space<vmem>>, %arg10: memref<2048x1xf32, #tpu.memory_space<vmem>>) attributes {dimension_semantics = [#tpu.dimension_semantics<arbitrary>], iteration_bounds = array<i64: 5>, scalar_prefetch = 0 : i64, scratch_operands = 0 : i64, tpu.core_type = #tpu.core_type<tc>, window_params = [{transform_indices = @transform_0, window_bounds = array<i64: 2048, 128>}, {transform_indices = @transform_1, window_bounds = array<i64: 2048, 128>}, {transform_indices = @transform_2, window_bounds = array<i64: 2048, 16>}, {transform_indices = @transform_3, window_bounds = array<i64: 2048, 16>}, {transform_indices = @transform_4, window_bounds = array<i64: 2048, 256>}, {pipeline_mode = #tpu.pipeline_mode<synchronous>, transform_indices = @transform_5, window_bounds = array<i64: 128, 256>}, {transform_indices = @transform_6, window_bounds = array<i64: 2048, 128>}, {transform_indices = @transform_7, window_bounds = array<i64: 2048, 128>}, {transform_indices = @transform_8, window_bounds = array<i64: 2048, 256>}, {transform_indices = @transform_9, window_bounds = array<i64: 2048, 1>}]} {
    %get3A = arith.constant 0 : index
    %get3A_0 = arith.constant 0 : index
    %get3A_1 = vector.load %arg1[%get3A, %get3A_0] : memref<2048x128xf32, #tpu.memory_space<vmem>>, vector<2048x128xf32>
    %get3A_2 = arith.constant 0 : index
    %get3A_3 = arith.constant 0 : index
    %get3A_4 = vector.load %arg2[%get3A_2, %get3A_3] : memref<2048x128xf32, #tpu.memory_space<vmem>>, vector<2048x128xf32>
    %add3A = arith.addf %get3A_1, %get3A_4 : vector<2048x128xf32>
    %get3A_5 = arith.constant 0 : index
    %get3A_6 = arith.constant 0 : index
    %get3A_7 = vector.load %arg3[%get3A_5, %get3A_6] : memref<2048x16xf32, #tpu.memory_space<vmem>>, vector<2048x16xf32>
    %get3A_8 = arith.constant 0 : index
    %get3A_9 = arith.constant 0 : index
    %get3A_10 = vector.load %arg4[%get3A_8, %get3A_9] : memref<2048x16xf32, #tpu.memory_space<vmem>>, vector<2048x16xf32>
    %add3A_11 = arith.addf %get3A_7, %get3A_10 : vector<2048x16xf32>
    %slice3A = vector.extract_strided_slice %add3A_11 {offsets = [0, 0], sizes = [2048, 1], strides = [1, 1]} : vector<2048x16xf32> to vector<2048x1xf32>
    %max3A = arith.constant 1.000000e+00 : f32
    %max3A_12 = vector.broadcast %max3A : f32 to vector<2048x1xf32>
    %max3A_13 = arith.maximumf %slice3A, %max3A_12 : vector<2048x1xf32>
    %div3A = arith.constant 1.000000e+00 : f32
    %div3A_14 = vector.broadcast %div3A : f32 to vector<2048x1xf32>
    %div3A_15 = arith.divf %div3A_14, %max3A_13 : vector<2048x1xf32>
    %mul3A = vector.broadcast %div3A_15 : vector<2048x1xf32> to vector<2048x128xf32>
    %mul3A_16 = arith.mulf %add3A, %mul3A : vector<2048x128xf32>
    %get3A_17 = arith.constant 0 : index
    %get3A_18 = arith.constant 0 : index
    %get3A_19 = vector.load %arg6[%get3A_17, %get3A_18] : memref<128x256xf32, #tpu.memory_space<vmem>>, vector<128x256xf32>
    %dot_general3A = arith.constant dense<0.000000e+00> : vector<2048x256xf32>
    %dot_general3A_20 = tpu.matmul %mul3A_16, %get3A_19, %dot_general3A {dimension_numbers = #tpu.dot_dimension_numbers<[1], [0], [0], [1], [0, 0, 1, 1], [], []>, transpose_lhs_hint = false} : vector<2048x128xf32>, vector<128x256xf32>, vector<2048x256xf32> -> vector<2048x256xf32>
    %get3A_21 = arith.constant 0 : index
    %get3A_22 = arith.constant 0 : index
    %get3A_23 = vector.load %arg5[%get3A_21, %get3A_22] : memref<2048x256xf32, #tpu.memory_space<vmem>>, vector<2048x256xf32>
    %add3A_24 = arith.addf %dot_general3A_20, %get3A_23 : vector<2048x256xf32>
    %max3A_25 = arith.constant 0.000000e+00 : f32
    %max3A_26 = vector.broadcast %max3A_25 : f32 to vector<2048x256xf32>
    %max3A_27 = arith.maximumf %add3A_24, %max3A_26 : vector<2048x256xf32>
    %slice3A_28 = vector.extract_strided_slice %max3A_27 {offsets = [0, 0], sizes = [2048, 128], strides = [1, 1]} : vector<2048x256xf32> to vector<2048x128xf32>
    %swap3A = arith.constant 0 : index
    %swap3A_29 = arith.constant 0 : index
    %swap3A_30 = vector.load %arg7[%swap3A, %swap3A_29] : memref<2048x128xf32, #tpu.memory_space<vmem>>, vector<2048x128xf32>
    tpu.vector_store %arg7[%swap3A, %swap3A_29], %slice3A_28 {strides = array<i32>} : memref<2048x128xf32, #tpu.memory_space<vmem>>, vector<2048x128xf32>,
    %slice3A_31 = vector.extract_strided_slice %max3A_27 {offsets = [0, 128], sizes = [2048, 128], strides = [1, 1]} : vector<2048x256xf32> to vector<2048x128xf32>
    %swap3A_32 = arith.constant 0 : index
    %swap3A_33 = arith.constant 0 : index
    %swap3A_34 = vector.load %arg8[%swap3A_32, %swap3A_33] : memref<2048x128xf32, #tpu.memory_space<vmem>>, vector<2048x128xf32>
    tpu.vector_store %arg8[%swap3A_32, %swap3A_33], %slice3A_31 {strides = array<i32>} : memref<2048x128xf32, #tpu.memory_space<vmem>>, vector<2048x128xf32>,
    %convert_element_type3A = arith.truncf %max3A_27 : vector<2048x256xf32> to vector<2048x256xbf16>
    %swap3A_35 = arith.constant 0 : index
    %swap3A_36 = arith.constant 0 : index
    %swap3A_37 = vector.load %arg9[%swap3A_35, %swap3A_36] : memref<2048x256xbf16, #tpu.memory_space<vmem>>, vector<2048x256xbf16>
    tpu.vector_store %arg9[%swap3A_35, %swap3A_36], %convert_element_type3A {strides = array<i32>} : memref<2048x256xbf16, #tpu.memory_space<vmem>>, vector<2048x256xbf16>,
    %swap3A_38 = arith.constant 0 : index
    %swap3A_39 = arith.constant 0 : index
    %swap3A_40 = vector.load %arg10[%swap3A_38, %swap3A_39] : memref<2048x1xf32, #tpu.memory_space<vmem>>, vector<2048x1xf32>
    tpu.vector_store %arg10[%swap3A_38, %swap3A_39], %div3A_15 {strides = array<i32>} : memref<2048x1xf32, #tpu.memory_space<vmem>>, vector<2048x1xf32>,
    return
  }
  func.func @transform_0(%arg0: i32) -> (i32, i32) {
    %c0_i32 = arith.constant 0 : i32
    %c0_i32_0 = arith.constant 0 : i32
    return %arg0, %c0_i32 : i32, i32
  }
  func.func @transform_1(%arg0: i32) -> (i32, i32) {
    %c0_i32 = arith.constant 0 : i32
    %c0_i32_0 = arith.constant 0 : i32
    return %arg0, %c0_i32 : i32, i32
  }
  func.func @transform_2(%arg0: i32) -> (i32, i32) {
    %c0_i32 = arith.constant 0 : i32
    %c0_i32_0 = arith.constant 0 : i32
    return %arg0, %c0_i32 : i32, i32
  }
  func.func @transform_3(%arg0: i32) -> (i32, i32) {
    %c0_i32 = arith.constant 0 : i32
    %c0_i32_0 = arith.constant 0 : i32
    return %arg0, %c0_i32 : i32, i32
  }
  func.func @transform_4(%arg0: i32) -> (i32, i32) {
    %c0_i32 = arith.constant 0 : i32
    %c0_i32_0 = arith.constant 0 : i32
    return %arg0, %c0_i32 : i32, i32
  }
  func.func @transform_5(%arg0: i32) -> (i32, i32) {
    %c0_i32 = arith.constant 0 : i32
    %c0_i32_0 = arith.constant 0 : i32
    %c0_i32_1 = arith.constant 0 : i32
    return %c0_i32, %c0_i32_0 : i32, i32
  }
  func.func @transform_6(%arg0: i32) -> (i32, i32) {
    %c0_i32 = arith.constant 0 : i32
    %c0_i32_0 = arith.constant 0 : i32
    return %arg0, %c0_i32 : i32, i32
  }
  func.func @transform_7(%arg0: i32) -> (i32, i32) {
    %c0_i32 = arith.constant 0 : i32
    %c0_i32_0 = arith.constant 0 : i32
    return %arg0, %c0_i32 : i32, i32
  }
  func.func @transform_8(%arg0: i32) -> (i32, i32) {
    %c0_i32 = arith.constant 0 : i32
    %c0_i32_0 = arith.constant 0 : i32
    return %arg0, %c0_i32 : i32, i32
  }
  func.func @transform_9(%arg0: i32) -> (i32, i32) {
    %c0_i32 = arith.constant 0 : i32
    %c0_i32_0 = arith.constant 0 : i32
    return %arg0, %c0_i32 : i32, i32
  }
}

module attributes {stable_mosaic.version = 14 : i64} {
  func.func @_lin2_body(%arg0: i32, %arg1: memref<2048x128xf32, #tpu.memory_space<vmem>>, %arg2: memref<2048x128xf32, #tpu.memory_space<vmem>>, %arg3: memref<128x256xf32, #tpu.memory_space<vmem>>, %arg4: memref<128x256xf32, #tpu.memory_space<vmem>>, %arg5: memref<1x256xf32, #tpu.memory_space<vmem>>, %arg6: memref<2048x256xf32, #tpu.memory_space<vmem>>) attributes {dimension_semantics = [#tpu.dimension_semantics<arbitrary>], iteration_bounds = array<i64: 5>, scalar_prefetch = 0 : i64, scratch_operands = 0 : i64, tpu.core_type = #tpu.core_type<tc>, window_params = [{transform_indices = @transform_0, window_bounds = array<i64: 2048, 128>}, {transform_indices = @transform_1, window_bounds = array<i64: 2048, 128>}, {pipeline_mode = #tpu.pipeline_mode<synchronous>, transform_indices = @transform_2, window_bounds = array<i64: 128, 256>}, {pipeline_mode = #tpu.pipeline_mode<synchronous>, transform_indices = @transform_3, window_bounds = array<i64: 128, 256>}, {pipeline_mode = #tpu.pipeline_mode<synchronous>, transform_indices = @transform_4, window_bounds = array<i64: 1, 256>}, {transform_indices = @transform_5, window_bounds = array<i64: 2048, 256>}]} {
    %get3A = arith.constant 0 : index
    %get3A_0 = arith.constant 0 : index
    %get3A_1 = vector.load %arg1[%get3A, %get3A_0] : memref<2048x128xf32, #tpu.memory_space<vmem>>, vector<2048x128xf32>
    %get3A_2 = arith.constant 0 : index
    %get3A_3 = arith.constant 0 : index
    %get3A_4 = vector.load %arg3[%get3A_2, %get3A_3] : memref<128x256xf32, #tpu.memory_space<vmem>>, vector<128x256xf32>
    %dot_general3A = arith.constant dense<0.000000e+00> : vector<2048x256xf32>
    %dot_general3A_5 = tpu.matmul %get3A_1, %get3A_4, %dot_general3A {dimension_numbers = #tpu.dot_dimension_numbers<[1], [0], [0], [1], [0, 0, 1, 1], [], []>, transpose_lhs_hint = false} : vector<2048x128xf32>, vector<128x256xf32>, vector<2048x256xf32> -> vector<2048x256xf32>
    %get3A_6 = arith.constant 0 : index
    %get3A_7 = arith.constant 0 : index
    %get3A_8 = vector.load %arg2[%get3A_6, %get3A_7] : memref<2048x128xf32, #tpu.memory_space<vmem>>, vector<2048x128xf32>
    %get3A_9 = arith.constant 0 : index
    %get3A_10 = arith.constant 0 : index
    %get3A_11 = vector.load %arg4[%get3A_9, %get3A_10] : memref<128x256xf32, #tpu.memory_space<vmem>>, vector<128x256xf32>
    %dot_general3A_12 = arith.constant dense<0.000000e+00> : vector<2048x256xf32>
    %dot_general3A_13 = tpu.matmul %get3A_8, %get3A_11, %dot_general3A_12 {dimension_numbers = #tpu.dot_dimension_numbers<[1], [0], [0], [1], [0, 0, 1, 1], [], []>, transpose_lhs_hint = false} : vector<2048x128xf32>, vector<128x256xf32>, vector<2048x256xf32> -> vector<2048x256xf32>
    %add3A = arith.addf %dot_general3A_5, %dot_general3A_13 : vector<2048x256xf32>
    %get3A_14 = arith.constant 0 : index
    %get3A_15 = arith.constant 0 : index
    %get3A_16 = vector.load %arg5[%get3A_14, %get3A_15] : memref<1x256xf32, #tpu.memory_space<vmem>>, vector<1x256xf32>
    %add3A_17 = vector.broadcast %get3A_16 : vector<1x256xf32> to vector<2048x256xf32>
    %add3A_18 = arith.addf %add3A, %add3A_17 : vector<2048x256xf32>
    %swap3A = arith.constant 0 : index
    %swap3A_19 = arith.constant 0 : index
    %swap3A_20 = vector.load %arg6[%swap3A, %swap3A_19] : memref<2048x256xf32, #tpu.memory_space<vmem>>, vector<2048x256xf32>
    tpu.vector_store %arg6[%swap3A, %swap3A_19], %add3A_18 {strides = array<i32>} : memref<2048x256xf32, #tpu.memory_space<vmem>>, vector<2048x256xf32>,
    return
  }
  func.func @transform_0(%arg0: i32) -> (i32, i32) {
    %c0_i32 = arith.constant 0 : i32
    %c0_i32_0 = arith.constant 0 : i32
    return %arg0, %c0_i32 : i32, i32
  }
  func.func @transform_1(%arg0: i32) -> (i32, i32) {
    %c0_i32 = arith.constant 0 : i32
    %c0_i32_0 = arith.constant 0 : i32
    return %arg0, %c0_i32 : i32, i32
  }
  func.func @transform_2(%arg0: i32) -> (i32, i32) {
    %c0_i32 = arith.constant 0 : i32
    %c0_i32_0 = arith.constant 0 : i32
    %c0_i32_1 = arith.constant 0 : i32
    return %c0_i32, %c0_i32_0 : i32, i32
  }
  func.func @transform_3(%arg0: i32) -> (i32, i32) {
    %c0_i32 = arith.constant 0 : i32
    %c0_i32_0 = arith.constant 0 : i32
    %c0_i32_1 = arith.constant 0 : i32
    return %c0_i32, %c0_i32_0 : i32, i32
  }
  func.func @transform_4(%arg0: i32) -> (i32, i32) {
    %c0_i32 = arith.constant 0 : i32
    %c0_i32_0 = arith.constant 0 : i32
    %c0_i32_1 = arith.constant 0 : i32
    return %c0_i32, %c0_i32_0 : i32, i32
  }
  func.func @transform_5(%arg0: i32) -> (i32, i32) {
    %c0_i32 = arith.constant 0 : i32
    %c0_i32_0 = arith.constant 0 : i32
    return %arg0, %c0_i32 : i32, i32
  }
}

module attributes {stable_mosaic.version = 14 : i64} {
  func.func @_l2_post_body(%arg0: i32, %arg1: memref<2048x256xbf16, #tpu.memory_space<vmem>>, %arg2: memref<2048x256xbf16, #tpu.memory_space<vmem>>, %arg3: memref<2048x256xf32, #tpu.memory_space<vmem>>, %arg4: memref<2048x1xf32, #tpu.memory_space<vmem>>, %arg5: memref<256x256xf32, #tpu.memory_space<vmem>>, %arg6: memref<256x1xf32, #tpu.memory_space<vmem>>, %arg7: memref<1x1xf32, #tpu.memory_space<vmem>>, %arg8: memref<2048x1xf32, #tpu.memory_space<vmem>>) attributes {dimension_semantics = [#tpu.dimension_semantics<arbitrary>], iteration_bounds = array<i64: 5>, scalar_prefetch = 0 : i64, scratch_operands = 0 : i64, tpu.core_type = #tpu.core_type<tc>, window_params = [{transform_indices = @transform_0, window_bounds = array<i64: 2048, 256>}, {transform_indices = @transform_1, window_bounds = array<i64: 2048, 256>}, {transform_indices = @transform_2, window_bounds = array<i64: 2048, 256>}, {transform_indices = @transform_3, window_bounds = array<i64: 2048, 1>}, {pipeline_mode = #tpu.pipeline_mode<synchronous>, transform_indices = @transform_4, window_bounds = array<i64: 256, 256>}, {pipeline_mode = #tpu.pipeline_mode<synchronous>, transform_indices = @transform_5, window_bounds = array<i64: 256, 1>}, {pipeline_mode = #tpu.pipeline_mode<synchronous>, transform_indices = @transform_6, window_bounds = array<i64: 1, 1>}, {transform_indices = @transform_7, window_bounds = array<i64: 2048, 1>}]} {
    %get3A = arith.constant 0 : index
    %get3A_0 = arith.constant 0 : index
    %get3A_1 = vector.load %arg1[%get3A, %get3A_0] : memref<2048x256xbf16, #tpu.memory_space<vmem>>, vector<2048x256xbf16>
    %convert_element_type3A = arith.extf %get3A_1 : vector<2048x256xbf16> to vector<2048x256xf32>
    %get3A_2 = arith.constant 0 : index
    %get3A_3 = arith.constant 0 : index
    %get3A_4 = vector.load %arg2[%get3A_2, %get3A_3] : memref<2048x256xbf16, #tpu.memory_space<vmem>>, vector<2048x256xbf16>
    %convert_element_type3A_5 = arith.extf %get3A_4 : vector<2048x256xbf16> to vector<2048x256xf32>
    %add3A = arith.addf %convert_element_type3A, %convert_element_type3A_5 : vector<2048x256xf32>
    %get3A_6 = arith.constant 0 : index
    %get3A_7 = arith.constant 0 : index
    %get3A_8 = vector.load %arg4[%get3A_6, %get3A_7] : memref<2048x1xf32, #tpu.memory_space<vmem>>, vector<2048x1xf32>
    %mul3A = vector.broadcast %get3A_8 : vector<2048x1xf32> to vector<2048x256xf32>
    %mul3A_9 = arith.mulf %add3A, %mul3A : vector<2048x256xf32>
    %get3A_10 = arith.constant 0 : index
    %get3A_11 = arith.constant 0 : index
    %get3A_12 = vector.load %arg5[%get3A_10, %get3A_11] : memref<256x256xf32, #tpu.memory_space<vmem>>, vector<256x256xf32>
    %dot_general3A = arith.constant dense<0.000000e+00> : vector<2048x256xf32>
    %dot_general3A_13 = tpu.matmul %mul3A_9, %get3A_12, %dot_general3A {dimension_numbers = #tpu.dot_dimension_numbers<[1], [0], [0], [1], [0, 0, 1, 1], [], []>, transpose_lhs_hint = false} : vector<2048x256xf32>, vector<256x256xf32>, vector<2048x256xf32> -> vector<2048x256xf32>
    %get3A_14 = arith.constant 0 : index
    %get3A_15 = arith.constant 0 : index
    %get3A_16 = vector.load %arg3[%get3A_14, %get3A_15] : memref<2048x256xf32, #tpu.memory_space<vmem>>, vector<2048x256xf32>
    %add3A_17 = arith.addf %dot_general3A_13, %get3A_16 : vector<2048x256xf32>
    %max3A = arith.constant 0.000000e+00 : f32
    %max3A_18 = vector.broadcast %max3A : f32 to vector<2048x256xf32>
    %max3A_19 = arith.maximumf %add3A_17, %max3A_18 : vector<2048x256xf32>
    %get3A_20 = arith.constant 0 : index
    %get3A_21 = arith.constant 0 : index
    %get3A_22 = vector.load %arg6[%get3A_20, %get3A_21] : memref<256x1xf32, #tpu.memory_space<vmem>>, vector<256x1xf32>
    %dot_general3A_23 = arith.constant dense<0.000000e+00> : vector<2048x1xf32>
    %dot_general3A_24 = tpu.matmul %max3A_19, %get3A_22, %dot_general3A_23 {dimension_numbers = #tpu.dot_dimension_numbers<[1], [0], [0], [1], [0, 0, 1, 1], [], []>, transpose_lhs_hint = false} : vector<2048x256xf32>, vector<256x1xf32>, vector<2048x1xf32> -> vector<2048x1xf32>
    %get3A_25 = arith.constant 0 : index
    %get3A_26 = arith.constant 0 : index
    %get3A_27 = vector.load %arg7[%get3A_25, %get3A_26] : memref<1x1xf32, #tpu.memory_space<vmem>>, vector<1x1xf32>
    %add3A_28 = vector.broadcast %get3A_27 : vector<1x1xf32> to vector<2048x1xf32>
    %add3A_29 = arith.addf %dot_general3A_24, %add3A_28 : vector<2048x1xf32>
    %swap3A = arith.constant 0 : index
    %swap3A_30 = arith.constant 0 : index
    %swap3A_31 = vector.load %arg8[%swap3A, %swap3A_30] : memref<2048x1xf32, #tpu.memory_space<vmem>>, vector<2048x1xf32>
    tpu.vector_store %arg8[%swap3A, %swap3A_30], %add3A_29 {strides = array<i32>} : memref<2048x1xf32, #tpu.memory_space<vmem>>, vector<2048x1xf32>,
    return
  }
  func.func @transform_0(%arg0: i32) -> (i32, i32) {
    %c0_i32 = arith.constant 0 : i32
    %c0_i32_0 = arith.constant 0 : i32
    return %arg0, %c0_i32 : i32, i32
  }
  func.func @transform_1(%arg0: i32) -> (i32, i32) {
    %c0_i32 = arith.constant 0 : i32
    %c0_i32_0 = arith.constant 0 : i32
    return %arg0, %c0_i32 : i32, i32
  }
  func.func @transform_2(%arg0: i32) -> (i32, i32) {
    %c0_i32 = arith.constant 0 : i32
    %c0_i32_0 = arith.constant 0 : i32
    return %arg0, %c0_i32 : i32, i32
  }
  func.func @transform_3(%arg0: i32) -> (i32, i32) {
    %c0_i32 = arith.constant 0 : i32
    %c0_i32_0 = arith.constant 0 : i32
    return %arg0, %c0_i32 : i32, i32
  }
  func.func @transform_4(%arg0: i32) -> (i32, i32) {
    %c0_i32 = arith.constant 0 : i32
    %c0_i32_0 = arith.constant 0 : i32
    %c0_i32_1 = arith.constant 0 : i32
    return %c0_i32, %c0_i32_0 : i32, i32
  }
  func.func @transform_5(%arg0: i32) -> (i32, i32) {
    %c0_i32 = arith.constant 0 : i32
    %c0_i32_0 = arith.constant 0 : i32
    %c0_i32_1 = arith.constant 0 : i32
    return %c0_i32, %c0_i32_0 : i32, i32
  }
  func.func @transform_6(%arg0: i32) -> (i32, i32) {
    %c0_i32 = arith.constant 0 : i32
    %c0_i32_0 = arith.constant 0 : i32
    %c0_i32_1 = arith.constant 0 : i32
    return %c0_i32, %c0_i32_0 : i32, i32
  }
  func.func @transform_7(%arg0: i32) -> (i32, i32) {
    %c0_i32 = arith.constant 0 : i32
    %c0_i32_0 = arith.constant 0 : i32
    return %arg0, %c0_i32 : i32, i32
  }
}

</mosaic_0001>

<sc_bundles>
// kernel: kernel.11.cloned.1.call-start
scs
__scs_entry_jumppad:
0x0: {  	(pc) =	sbr.rel $0x88, $3  }
0x1: {  	(tag) =	ssettag $0x0;
	lr =	simm.s32 $0x1  }
0x2: {  	[smem:$0x3F97] =	sst lr;
	_ =	strace $0xD0000000  }
0x3: {  	_ = 	snop  }
0x4: {  	_ = 	snop  }
0x5: {  	_ = 	snop  }
0x6: {  	_ = 	snop  }
0x7: {  	_ = 	snop  }
__scs_overlays_trampoline_lowered:
0x8: {  	[smem:$0x3FA6] =	sst s0  }
0x9: {  	[smem:$0x3FA7] =	sst s1  }
0xa: {  	[smem:$0x3FA8] =	sst s2  }
0xb: {  	[smem:$0x3FA9] =	sst s3  }
0xc: {  	[smem:$0x3FAA] =	sst s4  }
0xd: {  	[smem:$0x3FAB] =	sst s5  }
0xe: {  	[smem:$0x3FAC] =	sst s6  }
0xf: {  	[smem:$0x3FAD] =	sst s7  }
0x10: {  	[smem:$0x3FAE] =	sst s8  }
0x11: {  	[smem:$0x3FAF] =	sst s9;
	s0 =	simm.s32 @!p0 $0x0  }
0x12: {  	s1 =	sld [smem:$0x3F95];
	s0 =	simm.s32 @p0 $0x1  }
0x13: {  	[smem:$0x3FB0] =	sst s0;
	s0 =	simm.s32 @!p1 $0x0  }
0x14: {  	s2 =	sld [smem:$0x3F94];
	s0 =	simm.s32 @p1 $0x1  }
0x15: {  	[smem:$0x3FB1] =	sst s0;
	s0 =	simm.s32 @!p2 $0x0  }
0x16: {  	s3 =	sld [smem:$0x3FDB];
	s0 =	simm.s32 @p2 $0x1  }
0x17: {  	s4 =	simm.s32 $0x1BF5;
	[smem:$0x3FB3] =	sst s0  }
0x18: {  	s0 =	sld [smem:$0x3F96];
	_ =	swait.ge [sflag:s4], $0x0  }
0x19: {  	s7 =	sld [smem:$0x3F97]  }
0x1a: {  	s8 =	sadd.s32 $0xFFFFE003, lr  }
0x1b: {  	s9 =	sadd.s32 $0xFFFFFEF7, lr;
	s5 =	simm.s32 $0xFFFFFFFF;
	p2 =	slt.u32 s8, $0xFFFFF086  }
0x1c: {  	p1 =	slt.u32 s9, $0xF7A;
	s5 =	simm.s32 @!p2 $0x0  }
0x1d: {  	s5 =	simm.s32 @p1 $0x1;
	p0 =	seq.s32 s7, s2  }
0x1e: {  	s7 =	smul.u32 @!p0 $0xF7A, s2;
	p2 =	seq.s32 @!p0 s5, $0x0  }
0x1f: {  	s9 =	smul.u32 $0xF7A, s1;
	s8 =	simm.s32 @!p0 $0x1BF5;
	p2 =	por !p2, p0  }
0x20: {  	[sflag:s8] =	ssyncset.s32 @!p0 $0xFFFFF086;
	s6 =	sadd.s32 @!p0 s3, s7;
	s7 =	simm.s32 @!p0 $0x108  }
0x21: {  	s3 =	sadd.s32 s3, s9;
	s6 =	sadd.s32 @!p0 $0x88, s6;
	s7 =	simm.s32 @p2 $0x1082  }
0x22: {  	[simem:s7], [sflag:s8] =	dma.local @!p0 [hbm:s6], $0xF7A  }
0x23: {  	s9 =	sor.u32 $0xD0000000, s2;
	s6 =	simm.s32 $0x108;
	_ =	swait.ge @!p0 [sflag:s8], $0x0  }
0x24: {  	s3 =	sadd.s32 $0x88, s3;
	s6 =	simm.s32 @!p1 $0x1082;
	[sflag:s4] =	ssyncset.s32 $0xFFFFF086  }
0x25: {  	[simem:s6], [sflag:s4] =	dma.local [hbm:s3], $0xF7A  }
0x26: {  	[smem:$0x3F97] =	sst s1;
	(tag) =	ssettag s2;
	_ =	strace s9  }
0x27: {  	s1 =	sld [smem:$0x3FA7]  }
0x28: {  	s2 =	sld [smem:$0x3FA8]  }
0x29: {  	s4 =	sld [smem:$0x3FAA]  }
0x2a: {  	p0 =	seq.s32 s5, $0x0;
	s5 =	sld [smem:$0x3FAB]  }
0x2b: {  	s6 =	sld [smem:$0x3FAC]  }
0x2c: {  	s7 =	sld [smem:$0x3FAD]  }
0x2d: {  	s3 =	simm.s32 $0x108;
	s8 =	sld [smem:$0x3FAE]  }
0x2e: {  	s3 =	simm.s32 @!p0 $0x1082;
	s9 =	sld [smem:$0x3FAF]  }
0x2f: {  	lr =	sadd.s32 s0, s3;
	s0 =	sld [smem:$0x3FA6]  }
0x30: {  	s3 =	sld [smem:$0x3FA9]  }
0x31: {  	[smem:$0x3FB2] =	sst s10  }
0x32: {  	s10 =	sld [smem:$0x3FB0];
	_ =	sdelay $0x3  }
0x33: {  	p0 =	seq.s32 s10, $0x1;
	s10 =	sld [smem:$0x3FB2];
	_ =	sdelay $0x3  }
0x34: {  	[smem:$0x3FB2] =	sst s10  }
0x35: {  	s10 =	sld [smem:$0x3FB1];
	_ =	sdelay $0x3  }
0x36: {  	p1 =	seq.s32 s10, $0x1;
	s10 =	sld [smem:$0x3FB2];
	_ =	sdelay $0x3  }
0x37: {  	[smem:$0x3FB2] =	sst s10  }
0x38: {  	s10 =	sld [smem:$0x3FB3]  }
0x39: {  	_ = 	snop;
	(pc) =	sbr.ind lr, $3  }
0x3a: {  	_ = 	snop  }
0x3b: {  	_ = 	snop  }
0x3c: {  	p2 =	seq.s32 s10, $0x1;
	s10 =	sld [smem:$0x3FB2]  }
0x3d: {  	_ =	shalt  }
0x3e: {  	_ =	shalt  }
0x3f: {  	_ =	shalt  }
0x40: {  	_ =	shalt  }
0x41: {  	_ =	shalt  }
0x42: {  	_ =	shalt  }
0x43: {  	_ =	shalt  }
0x44: {  	_ =	shalt  }
0x45: {  	_ =	shalt  }
0x46: {  	_ =	shalt  }
0x47: {  	_ =	shalt  }
0x48: {  	_ =	shalt  }
0x49: {  	_ =	shalt  }
0x4a: {  	_ =	shalt  }
0x4b: {  	_ =	shalt  }
0x4c: {  	_ =	shalt  }
0x4d: {  	_ =	shalt  }
0x4e: {  	_ =	shalt  }
0x4f: {  	_ =	shalt  }
0x50: {  	_ =	shalt  }
0x51: {  	_ =	shalt  }
0x52: {  	_ =	shalt  }
0x53: {  	_ =	shalt  }
0x54: {  	_ =	shalt  }
0x55: {  	_ =	shalt  }
0x56: {  	_ =	shalt  }
0x57: {  	_ =	shalt  }
0x58: {  	_ =	shalt  }
0x59: {  	_ =	shalt  }
0x5a: {  	_ =	shalt  }
0x5b: {  	_ =	shalt  }
0x5c: {  	_ =	shalt  }
0x5d: {  	_ =	shalt  }
0x5e: {  	_ =	shalt  }
0x5f: {  	_ =	shalt  }
0x60: {  	_ =	shalt  }
0x61: {  	_ =	shalt  }
0x62: {  	_ =	shalt  }
0x63: {  	_ =	shalt  }
0x64: {  	_ =	shalt  }
0x65: {  	_ =	shalt  }
0x66: {  	_ =	shalt  }
0x67: {  	_ =	shalt  }
0x68: {  	_ =	shalt  }
0x69: {  	_ =	shalt  }
0x6a: {  	_ =	shalt  }
0x6b: {  	_ =	shalt  }
0x6c: {  	_ =	shalt  }
0x6d: {  	_ =	shalt  }
0x6e: {  	_ =	shalt  }
0x6f: {  	_ =	shalt  }
0x70: {  	_ =	shalt  }
0x71: {  	_ =	shalt  }
0x72: {  	_ =	shalt  }
0x73: {  	_ =	shalt  }
0x74: {  	_ =	shalt  }
0x75: {  	_ =	shalt  }
0x76: {  	_ =	shalt  }
0x77: {  	_ =	shalt  }
0x78: {  	_ =	shalt  }
0x79: {  	_ =	shalt  }
0x7a: {  	_ =	shalt  }
0x7b: {  	_ =	shalt  }
0x7c: {  	_ =	shalt  }
0x7d: {  	_ =	shalt  }
0x7e: {  	_ =	shalt  }
0x7f: {  	_ =	shalt  }
0x80: {  	_ =	shalt  }
0x81: {  	_ =	shalt  }
0x82: {  	_ =	shalt  }
0x83: {  	_ =	shalt  }
0x84: {  	_ =	shalt  }
0x85: {  	_ =	shalt  }
0x86: {  	_ =	shalt  }
0x87: {  	_ =	shalt  }
.Lfunc_end0:
.L_simem_size_0:
called_computation.1_lowered:
.L_overlay_start_0:
0x88: {  	s2 =	sld [smem:$0x3FD9]  }
0x89: {  	s3 =	sld [smem:$0x3FFE];
	_ =	sdelay $0x1  }
0x8a: {  	s1 =	srdreg.scid  }
0x8b: {  	s0 =	sand.u32 $0x1, s1  }
0x8c: {  	s16 =	sshll.u32 s0, $0xA;
	s2 =	sadd.s32 s3, s2  }
0x8d: {  	s2 =	sadd.s32 s2, s16  }
0x8e: {  	[smem:$0x3FBE] =	sst s2  }
0x8f: {  	_ = 	snop  }
0x90: {  	(tm) =	ssettm $0x1  }
0x91: {  	s17 =	sld [smem:$0x3FFB];
	_ =	sdelay $0x3  }
0x92: {  	_ =	strace s17  }
0x93: {  	s2 =	sld [smem:$0x3FFC];
	_ =	sdelay $0x3  }
0x94: {  	_ =	strace s2  }
0x95: {  	s2 =	sld [smem:$0x3FFD];
	_ =	sdelay $0x3  }
0x96: {  	_ =	strace s2  }
0x97: {  	_ =	strace $0x8FFFFFFF  }
0x98: {  	s18 =	sld [smem:$0x3FDB];
	_ =	sdelay $0x1  }
0x99: {  	s19 =	simm.s32 $_scs_section_size  }
0x9a: {  	s4 =	simm.s32 $_size__tile_overlayer_lowered;
	s5 =	simm.s32 $_tile_overlayer_lowered  }
0x9b: {  	s22 =	simm.s32 $0x1BFF;
	s21 =	sshll.u32 s5, $0x1;
	s2 =	sadd.s32 s19, s18  }
0x9c: {  	s6 =	simm.s32 $0x0;
	s20 =	sshll.u32 s4, $0x1;
	s4 =	sadd.s32 s21, s2  }
0x9d: {  	[timem:s6], [sflag:s22] =	dma.local [hbm:s4], s20  }
0x9e: {  	_ =	swait.ge [sflag:s22], s20  }
0x9f: {  	s3 =	ssub.s32 $0x0, s20;
	[sflag:s22] =	ssyncset.done $0x0  }
0xa0: {  	[sflag:s22] =	ssyncadd.s32 s3;
	_ =	sdelay $0x1  }
0xa1: {  	s23 =	simm.s32 $0x1B8B  }
0xa2: {  	_ =	swait.ge [sflag:s23], $0x1  }
0xa3: {  	[sflag:s23] =	ssyncset.done $0x0  }
0xa4: {  	s25 =	simm.s32 $0x1B8E;
	s24 =	sld [smem:$0x3FFE];
	[sflag:s23] =	ssyncadd.s32 $0xFFFFFFFF  }
0xa5: {  	s26 =	simm.s32 $execute0_lowered;
	[smem:$0x3FD2] =	sst s25  }
0xa6: {  	s4 =	sshll.u32 s26, $0x1;
	_ =	strace $0x80000049;
	[dreg:$0x1] =	wrdreg $0xFFFFFFFF  }
0xa7: {  	s28 =	simm.s32 $_size_execute0_lowered;
	s2 =	sadd.s32 s2, s4;
	[dreg:$0x0] =	wrdreg $0x0  }
0xa8: {  	s4 =	sshll.u32 s28, $0x1;
	[dreg:$0x2] =	wrdreg s2  }
0xa9: {  	[dreg:$0x3] =	wrdreg s4  }
0xaa: {  	[dreg:$0x4] =	wrdreg $0xC0  }
0xab: {  	_ =	task [dreg:s6], $0x5FFFF  }
0xac: {  	[dreg:$0x1] =	wrdreg $0xFFFFFFFF  }
0xad: {  	[dreg:$0x0] =	wrdreg $0x60  }
0xae: {  	[dreg:$0x2] =	wrdreg s24  }
0xaf: {  	[dreg:$0x3] =	wrdreg $0x0  }
0xb0: {  	[dreg:$0x4] =	wrdreg $0x9  }
0xb1: {  	_ =	task.clear_ibuf [dreg:s6], $0x5FFFF;
	_ =	strace $0x90000049  }
0xb2: {  	s29 =	simm.s32 $0x9;
	_ =	strace $0x8000004B  }
0xb3: {  	_ =	swait.ge [sflag:s29], $0x1  }
0xb4: {  	[sflag:s29] =	ssyncadd.s32 $0xFFFFFFFF  }
0xb5: {  	_ =	strace $0x9000004B  }
0xb6: {  	_ =	sfence  }
0xb7: {  	s30 =	sld [smem:$0x0];
	_ =	sdelay $0x2  }
0xb8: {  	s31 =	sshll.u32 s1, $0xD;
	s1 =	sshrl.u32 s1, $0x2  }
0xb9: {  	s3 =	sand.u32 $0x4000, s31;
	s1 =	sadd.s32 s1, s30  }
0xba: {  	s0 =	sor.u32 s3, s0;
	s1 =	sshll.u32 s1, $0x11  }
0xbb: {  	s0 =	sor.u32 s1, s0  }
0xbc: {  	s0 =	sadd.s32 $0x8F2B, s0  }
0xbd: {  	[sflag:s0] =	ssyncadd.remote.s32 $0x1  }
0xbe: {  	_ =	sfence.sel $0xFFFF  }
0xbf: {  	[dreg:$0x0] =	wrdreg $0xFFFFFFFF;
	(pc) =	sbr.abs _section_cstart, $3  }
0xc0: {  	[dreg:$0x1] =	wrdreg $0xFFFFFFFF  }
0xc1: {  	_ =	task.clear_ibuf [dreg:s6], $0x2FFFF;
	_ =	strace $0x9FFFFFFF  }
0xc2: {  	(tm) =	ssettm $0x7FFFFFFF  }
0xc3: {  	_ =	shalt  }
tec
execute0_lowered:
.L_overlay_start_1:
0x0: {  	(tag) =	ssettag $0x1  }
0x1: {  	s0 =	rddreg [dreg:$0x0]  }
0x2: {  	s2 =	rddreg [dreg:$0x1];
	s3 =	simm.s32 $0x0  }
0x3: {  	s1 =	stileid.u32;
	s4 =	srdreg.scid;
	s16 =	simm.s32 $0x5  }
0x4: {  	s17 =	simm.s32 $0x50;
	s18 =	simm.s32 $0x4E200;
	s19 =	simm.s32 $0x14000  }
0x5: {  	s20 =	simm.s32 $0x3;
	s21 =	simm.s32 $0x14140;
	s22 =	simm.s32 $0x140A0  }
0x6: {  	s23 =	simm.s32 $0x4;
	s24 =	simm.s32 $0x16940;
	s25 =	simm.s32 $0x1  }
0x7: {  	s26 =	simm.s32 $0x14050;
	s28 =	simm.s32 $0x2;
	s29 =	simm.s32 $0x140F0  }
0x8: {  	[smem:$0x7FF] =	sst s3;
	s6 =	smul.u32 $0x28000, s1;
	s10 =	sand.u32 $0x1, s4  }
0x9: {  	s4 =	sadd.s32 $0x16E00, s0;
	s5 =	sadd.s32 $0x3400, s0;
	s13 =	smul.u32 $0x2710, s1  }
0xa: {  	s31 =	sshll.u32 s1, $0x6;
	_ =	strace $0x8000004A;
	s7 =	sshll.u32 s10, $0x4  }
0xb: {  	s9 =	ssub.s32 $0x2, s10;
	s12 =	smul.u32 $0x27100, s10;
	p0 =	seq.s32 s10, $0x1  }
0xc: {  	s8 =	sshrl.u32 s6, $0x4;
	s7 =	sor.u32 s1, s7;
	s30 =	sshrl.u32 s9, $0x1  }
0xd: {  	s6 =	sshrl.u32 s6, $0x1;
	s0 =	sadd.s32 s8, s0;
	s7 =	smul.u32 $0x2710, s7  }
0xe: {  	s11 =	ssub.s32 s9, s30;
	s15 =	sadd.s32 s6, s2;
	s8 =	sor.u32 $0x1C05, s31  }
0xf: {  	s14 =	sadd.s32 s13, s12;
	s12 =	simm.s32 $0x66E00;
	s6 =	sadd.s32 $0xC5E00, s0  }
0x10: {  	s13 =	sadd.s32 $0xF0, s14;
	s10 =	smax.u32 s11, $0x1;
	s12 =	simm.s32 @!p0 $0x3EE00  }
0x11: {  	s14 =	sadd.s32 $0xA0, s14;
	s15 =	sshrl.u32 s15, $0x3;
	s7 =	sshrl.u32 s7, $0x3  }
0x12: {  	s13 =	sshrl.u32 s13, $0x3;
	s12 =	sadd.s32 s12, s0;
	s7 =	sadd.s32 s5, s7  }
0x13: {  	s13 =	sadd.s32 s13, s5;
	s9 =	sadd.s32 $0xA, s7;
	s11 =	sadd.s32 $0x4D8, s7  }
.LBB2_1:
0x14: {  	[spmem:s15], [sflag:s8] =	dma.local [hbm:s6], $0x2800  }
0x15: {  	_ =	swait.ge [sflag:s16], $0x2800  }
0x16: {  	[sflag:s16] =	ssyncset.done $0x0  }
0x17: {  	[sflag:s16] =	ssyncadd.s32 $0xFFFFD800  }
0x18: {  	[bflag:$0x0] =	sbarrier.arrive $0xFFFF  }
0x19: {  	[tilespmem:s19], [sflag:$0x3] =	stream.strided.gather [hbm4b:s7+s17], $0xA0, s18, s17, $0x38;
	[tilespmem:$0x19140] =	vst v63  }
0x1a: {  	_ =	swait.ge [sflag:s20], $0xA0  }
0x1b: {  	[sflag:s20] =	ssyncset.done $0x0  }
0x1c: {  	[sflag:s20] =	ssyncadd.s32 $0xFFFFFF60  }
0x1d: {  	[tilespmem:s21], [sflag:$0x1] =	stream.indirect.gather [hbm4b:s4+s17], $0x80, s19, s17, $0xb8;
	[tilespmem:$0x19140] =	vst v63  }
0x1e: {  	_ = 	snop  }
0x1f: {  	[tilespmem:s22], [sflag:$0x4] =	stream.strided.gather [hbm4b:s9+s17], $0xA0, s18, s17, $0x38;
	[tilespmem:$0x19140] =	vst v63  }
0x20: {  	_ =	swait.ge [sflag:s23], $0xA0  }
0x21: {  	[sflag:s23] =	ssyncset.done $0x0  }
0x22: {  	[sflag:s23] =	ssyncadd.s32 $0xFFFFFF60  }
0x23: {  	[tilespmem:s24], [sflag:$0x2] =	stream.indirect.gather [hbm4b:s4+s17], $0x80, s22, s17, $0xb8;
	[tilespmem:$0x19140] =	vst v63  }
0x24: {  	_ =	swait.ge [sflag:s25], $0x2800  }
0x25: {  	[sflag:s25] =	ssyncset.done $0x0  }
0x26: {  	[sflag:s25] =	ssyncadd.s32 $0xFFFFD800  }
0x27: {  	[spmem:s2] =	stream.indirect.scatter.add.bf16 [tilespmem:s21], [sflag:$0x5], $0x80, s26, s17, $0xb8;
	[tilespmem:$0x19140] =	vst v63  }
0x28: {  	_ =	swait.ge [sflag:s16], $0x2800  }
0x29: {  	s0 =	sshrl.u32 s14, $0x3;
	[sflag:s16] =	ssyncset.done $0x0  }
0x2a: {  	s0 =	sadd.s32 s5, s0;
	[sflag:s16] =	ssyncadd.s32 $0xFFFFD800  }
0x2b: {  	[tilespmem:s19], [sflag:$0x3] =	stream.strided.gather [hbm4b:s0+s17], $0xA0, s18, s17, $0x38;
	[tilespmem:$0x19140] =	vst v63  }
0x2c: {  	_ =	swait.ge [sflag:s20], $0xA0  }
0x2d: {  	[sflag:s20] =	ssyncset.done $0x0  }
0x2e: {  	[sflag:s20] =	ssyncadd.s32 $0xFFFFFF60  }
0x2f: {  	[tilespmem:s21], [sflag:$0x1] =	stream.indirect.gather [hbm4b:s4+s17], $0x80, s19, s17, $0xb8;
	[tilespmem:$0x19140] =	vst v63  }
0x30: {  	_ =	swait.ge [sflag:s28], $0x2800  }
0x31: {  	[sflag:s28] =	ssyncset.done $0x0  }
0x32: {  	[sflag:s28] =	ssyncadd.s32 $0xFFFFD800  }
0x33: {  	[spmem:s2] =	stream.indirect.scatter.add.bf16 [tilespmem:s24], [sflag:$0x5], $0x80, s29, s17, $0xb8;
	[tilespmem:$0x19140] =	vst v63  }
0x34: {  	_ =	swait.ge [sflag:s16], $0x2800  }
0x35: {  	s30 =	simm.s32 $0x14;
	[sflag:s16] =	ssyncset.done $0x0  }
0x36: {  	s31 =	sadd.s32 $0xA0, s14;
	s0 =	sadd.s32 $0x0, s13;
	[sflag:s16] =	ssyncadd.s32 $0xFFFFD800  }
.LBB2_2:
0x37: {  	[tilespmem:s22], [sflag:$0x4] =	stream.strided.gather [hbm4b:s0+s17], $0xA0, s18, s17, $0x38;
	[tilespmem:$0x19140] =	vst v63  }
0x38: {  	s0 =	smov.u32 s30  }
0x39: {  	p0 =	sne.s32 s30, $0x4B0;
	s30 =	sadd.s32 $0x14, s30;
	_ =	swait.ge [sflag:s23], $0xA0  }
0x3a: {  	[sflag:s23] =	ssyncset.done $0x0  }
0x3b: {  	[sflag:s23] =	ssyncadd.s32 $0xFFFFFF60  }
0x3c: {  	[tilespmem:s24], [sflag:$0x2] =	stream.indirect.gather [hbm4b:s4+s17], $0x80, s22, s17, $0xb8;
	[tilespmem:$0x19140] =	vst v63  }
0x3d: {  	_ =	swait.ge [sflag:s25], $0x2800  }
0x3e: {  	[sflag:s25] =	ssyncset.done $0x0  }
0x3f: {  	[sflag:s25] =	ssyncadd.s32 $0xFFFFD800  }
0x40: {  	[spmem:s2] =	stream.indirect.scatter.add.bf16 [tilespmem:s21], [sflag:$0x5], $0x80, s26, s17, $0xb8;
	[tilespmem:$0x19140] =	vst v63  }
0x41: {  	_ =	swait.ge [sflag:s16], $0x2800  }
0x42: {  	s1 =	sshrl.u32 s31, $0x3;
	[sflag:s16] =	ssyncset.done $0x0  }
0x43: {  	s1 =	sadd.s32 s5, s1;
	[sflag:s16] =	ssyncadd.s32 $0xFFFFD800  }
0x44: {  	[tilespmem:s19], [sflag:$0x3] =	stream.strided.gather [hbm4b:s1+s17], $0xA0, s18, s17, $0x38;
	[tilespmem:$0x19140] =	vst v63  }
0x45: {  	_ =	swait.ge [sflag:s20], $0xA0  }
0x46: {  	[sflag:s20] =	ssyncset.done $0x0  }
0x47: {  	[sflag:s20] =	ssyncadd.s32 $0xFFFFFF60  }
0x48: {  	[tilespmem:s21], [sflag:$0x1] =	stream.indirect.gather [hbm4b:s4+s17], $0x80, s19, s17, $0xb8;
	[tilespmem:$0x19140] =	vst v63  }
0x49: {  	_ =	swait.ge [sflag:s28], $0x2800  }
0x4a: {  	[sflag:s28] =	ssyncset.done $0x0  }
.Ltmp0:
0x4b: {  	[sflag:s28] =	ssyncadd.s32 $0xFFFFD800;
	(pc) =	sbr.rel @p0 .LBB2_2-.Ltmp0, $4  }
0x4c: {  	[spmem:s2] =	stream.indirect.scatter.add.bf16 [tilespmem:s24], [sflag:$0x5], $0x80, s29, s17, $0xb8;
	[tilespmem:$0x19140] =	vst v63  }
0x4d: {  	_ =	swait.ge [sflag:s16], $0x2800  }
0x4e: {  	[sflag:s16] =	ssyncset.done $0x0  }
0x4f: {  	s31 =	sadd.s32 $0xA0, s31;
	s0 =	sadd.s32 s0, s13;
	[sflag:s16] =	ssyncadd.s32 $0xFFFFD800  }
0x50: {  	[tilespmem:s22], [sflag:$0x4] =	stream.strided.gather [hbm4b:s0+s17], $0xA0, s18, s17, $0x38;
	[tilespmem:$0x19140] =	vst v63  }
0x51: {  	_ =	swait.ge [sflag:s23], $0xA0  }
0x52: {  	[sflag:s23] =	ssyncset.done $0x0  }
0x53: {  	[sflag:s23] =	ssyncadd.s32 $0xFFFFFF60  }
0x54: {  	[tilespmem:s24], [sflag:$0x2] =	stream.indirect.gather [hbm4b:s4+s17], $0x80, s22, s17, $0xb8;
	[tilespmem:$0x19140] =	vst v63  }
0x55: {  	_ =	swait.ge [sflag:s25], $0x2800  }
0x56: {  	[sflag:s25] =	ssyncset.done $0x0  }
0x57: {  	[sflag:s25] =	ssyncadd.s32 $0xFFFFD800  }
0x58: {  	[spmem:s2] =	stream.indirect.scatter.add.bf16 [tilespmem:s21], [sflag:$0x5], $0x80, s26, s17, $0xb8;
	[tilespmem:$0x19140] =	vst v63  }
0x59: {  	_ =	swait.ge [sflag:s16], $0x2800  }
0x5a: {  	[sflag:s16] =	ssyncset.done $0x0  }
0x5b: {  	[sflag:s16] =	ssyncadd.s32 $0xFFFFD800  }
0x5c: {  	[tilespmem:s19], [sflag:$0x3] =	stream.strided.gather [hbm4b:s11+s17], $0xA0, s18, s17, $0x38;
	[tilespmem:$0x19140] =	vst v63  }
0x5d: {  	_ =	swait.ge [sflag:s20], $0xA0  }
0x5e: {  	[sflag:s20] =	ssyncset.done $0x0  }
0x5f: {  	[sflag:s20] =	ssyncadd.s32 $0xFFFFFF60  }
0x60: {  	[tilespmem:s21], [sflag:$0x1] =	stream.indirect.gather [hbm4b:s4+s17], $0x80, s19, s17, $0xb8;
	[tilespmem:$0x19140] =	vst v63  }
0x61: {  	_ =	swait.ge [sflag:s28], $0x2800  }
0x62: {  	[sflag:s28] =	ssyncset.done $0x0  }
0x63: {  	[sflag:s28] =	ssyncadd.s32 $0xFFFFD800  }
0x64: {  	[spmem:s2] =	stream.indirect.scatter.add.bf16 [tilespmem:s24], [sflag:$0x5], $0x80, s29, s17, $0xb8;
	[tilespmem:$0x19140] =	vst v63  }
0x65: {  	_ =	swait.ge [sflag:s16], $0x2800  }
0x66: {  	[sflag:s16] =	ssyncset.done $0x0  }
0x67: {  	[sflag:s16] =	ssyncadd.s32 $0xFFFFD800  }
0x68: {  	[tilespmem:s22], [sflag:$0x4] =	stream.strided.gather [hbm4b:s11+s17], $0xA0, s18, s17, $0x38;
	[tilespmem:$0x19140] =	vst v63  }
0x69: {  	_ =	swait.ge [sflag:s25], $0x2800  }
0x6a: {  	[sflag:s25] =	ssyncset.done $0x0  }
0x6b: {  	[sflag:s25] =	ssyncadd.s32 $0xFFFFD800  }
0x6c: {  	[spmem:s2] =	stream.indirect.scatter.add.bf16 [tilespmem:s21], [sflag:$0x5], $0x80, s26, s17, $0xb8;
	[tilespmem:$0x19140] =	vst v63  }
0x6d: {  	_ =	swait.ge [sflag:s16], $0x2800  }
0x6e: {  	[sflag:s16] =	ssyncset.done $0x0  }
0x6f: {  	[sflag:s16] =	ssyncadd.s32 $0xFFFFD800  }
0x70: {  	_ =	swait.ge [sflag:s23], $0xA0  }
0x71: {  	s3 =	sadd.s32 $0x1, s3;
	[sflag:s23] =	ssyncset.done $0x0  }
0x72: {  	p0 =	sne.s32 s3, s10;
	[sflag:s23] =	ssyncadd.s32 $0xFFFFFF60  }
.Ltmp1:
0x73: {  	[bflag:$0x0] =	sbarrier.arrive $0xFFFF;
	(pc) =	sbr.rel @p0 .LBB2_1-.Ltmp1, $4  }
0x74: {  	[hbm:s12], [sflag:s8] =	dma.local [spmem:s15], $0x2800  }
0x75: {  	_ =	swait.ge [sflag:s16], $0x2800  }
0x76: {  	[sflag:s16] =	ssyncset.done $0x0  }
0x77: {  	[sflag:s16] =	ssyncadd.s32 $0xFFFFD800  }
0x78: {  	_ =	sfence.sel $0x180000  }
0x79: {  	[bflag:$0x0] =	sbarrier.arrive $0xFFFF  }
0x7a: {  	_ =	strace $0x9000004A  }
0x7b: {  	s0 =	stileid.u32;
	[bflag:$0x2] =	sbarrier.arrive $0xFFFF  }
0x7c: {  	p0 =	sne.s32 s0, $0x0;
	s0 =	rddreg [dreg:$0x2]  }
0x7d: {  	s0 =	sadd.s32 @!p0 $0x100000, s0  }
0x7e: {  	[sflag:s0] =	ssyncadd.tile.s32 @!p0 $0x1;
	_ =	shalt  }
.Lfunc_end2:
_tile_overlayer_lowered:
.L_overlay_start_2:
0x7f: {  	(tag) =	ssettag $0x2  }
0x80: {  	s0 =	rddreg [dreg:$0x0];
	s2 =	stileid.u32  }
0x81: {  	s1 =	rddreg [dreg:$0x1];
	p0 =	sne.s32 s2, $0x0  }
0x82: {  	s3 =	rddreg [dreg:$0x2];
	[bflag:$0x3] =	sbarrier.arrive $0xFFFF;
	s2 =	simm.s32 @!p0 $0x1C05  }
0x83: {  	[timem:s3], [sflag:s2] =	dma.local @!p0 [hbm:s0], s1  }
0x84: {  	s0 =	simm.s32 @!p0 $0x5  }
0x85: {  	_ =	swait.ge @!p0 [sflag:s0], s1  }
0x86: {  	s1 =	ssub.s32 @!p0 $0x0, s1;
	[sflag:s0] =	ssyncset.done @!p0 $0x0  }
0x87: {  	[sflag:s0] =	ssyncadd.s32 @!p0 s1  }
0x88: {  	[bflag:$0x3] =	sbarrier.arrive $0xFFFF  }
0x89: {  	_ =	shalt  }

// kernel: kernel.8.cloned.1.call-start
scs
__scs_entry_jumppad:
0x0: {  	(pc) =	sbr.rel $0x88, $3  }
0x1: {  	(tag) =	ssettag $0x0;
	lr =	simm.s32 $0x1  }
0x2: {  	[smem:$0x3F97] =	sst lr;
	_ =	strace $0xD0000000  }
0x3: {  	_ = 	snop  }
0x4: {  	_ = 	snop  }
0x5: {  	_ = 	snop  }
0x6: {  	_ = 	snop  }
0x7: {  	_ = 	snop  }
__scs_overlays_trampoline_lowered:
0x8: {  	[smem:$0x3FA6] =	sst s0  }
0x9: {  	[smem:$0x3FA7] =	sst s1  }
0xa: {  	[smem:$0x3FA8] =	sst s2  }
0xb: {  	[smem:$0x3FA9] =	sst s3  }
0xc: {  	[smem:$0x3FAA] =	sst s4  }
0xd: {  	[smem:$0x3FAB] =	sst s5  }
0xe: {  	[smem:$0x3FAC] =	sst s6  }
0xf: {  	[smem:$0x3FAD] =	sst s7  }
0x10: {  	[smem:$0x3FAE] =	sst s8  }
0x11: {  	[smem:$0x3FAF] =	sst s9;
	s0 =	simm.s32 @!p0 $0x0  }
0x12: {  	s1 =	sld [smem:$0x3F95];
	s0 =	simm.s32 @p0 $0x1  }
0x13: {  	[smem:$0x3FB0] =	sst s0;
	s0 =	simm.s32 @!p1 $0x0  }
0x14: {  	s2 =	sld [smem:$0x3F94];
	s0 =	simm.s32 @p1 $0x1  }
0x15: {  	[smem:$0x3FB1] =	sst s0;
	s0 =	simm.s32 @!p2 $0x0  }
0x16: {  	s3 =	sld [smem:$0x3FDB];
	s0 =	simm.s32 @p2 $0x1  }
0x17: {  	s4 =	simm.s32 $0x1BF5;
	[smem:$0x3FB3] =	sst s0  }
0x18: {  	s0 =	sld [smem:$0x3F96];
	_ =	swait.ge [sflag:s4], $0x0  }
0x19: {  	s7 =	sld [smem:$0x3F97]  }
0x1a: {  	s8 =	sadd.s32 $0xFFFFE003, lr  }
0x1b: {  	s9 =	sadd.s32 $0xFFFFFEF7, lr;
	s5 =	simm.s32 $0xFFFFFFFF;
	p2 =	slt.u32 s8, $0xFFFFF086  }
0x1c: {  	p1 =	slt.u32 s9, $0xF7A;
	s5 =	simm.s32 @!p2 $0x0  }
0x1d: {  	s5 =	simm.s32 @p1 $0x1;
	p0 =	seq.s32 s7, s2  }
0x1e: {  	s7 =	smul.u32 @!p0 $0xF7A, s2;
	p2 =	seq.s32 @!p0 s5, $0x0  }
0x1f: {  	s9 =	smul.u32 $0xF7A, s1;
	s8 =	simm.s32 @!p0 $0x1BF5;
	p2 =	por !p2, p0  }
0x20: {  	[sflag:s8] =	ssyncset.s32 @!p0 $0xFFFFF086;
	s6 =	sadd.s32 @!p0 s3, s7;
	s7 =	simm.s32 @!p0 $0x108  }
0x21: {  	s3 =	sadd.s32 s3, s9;
	s6 =	sadd.s32 @!p0 $0x88, s6;
	s7 =	simm.s32 @p2 $0x1082  }
0x22: {  	[simem:s7], [sflag:s8] =	dma.local @!p0 [hbm:s6], $0xF7A  }
0x23: {  	s9 =	sor.u32 $0xD0000000, s2;
	s6 =	simm.s32 $0x108;
	_ =	swait.ge @!p0 [sflag:s8], $0x0  }
0x24: {  	s3 =	sadd.s32 $0x88, s3;
	s6 =	simm.s32 @!p1 $0x1082;
	[sflag:s4] =	ssyncset.s32 $0xFFFFF086  }
0x25: {  	[simem:s6], [sflag:s4] =	dma.local [hbm:s3], $0xF7A  }
0x26: {  	[smem:$0x3F97] =	sst s1;
	(tag) =	ssettag s2;
	_ =	strace s9  }
0x27: {  	s1 =	sld [smem:$0x3FA7]  }
0x28: {  	s2 =	sld [smem:$0x3FA8]  }
0x29: {  	s4 =	sld [smem:$0x3FAA]  }
0x2a: {  	p0 =	seq.s32 s5, $0x0;
	s5 =	sld [smem:$0x3FAB]  }
0x2b: {  	s6 =	sld [smem:$0x3FAC]  }
0x2c: {  	s7 =	sld [smem:$0x3FAD]  }
0x2d: {  	s3 =	simm.s32 $0x108;
	s8 =	sld [smem:$0x3FAE]  }
0x2e: {  	s3 =	simm.s32 @!p0 $0x1082;
	s9 =	sld [smem:$0x3FAF]  }
0x2f: {  	lr =	sadd.s32 s0, s3;
	s0 =	sld [smem:$0x3FA6]  }
0x30: {  	s3 =	sld [smem:$0x3FA9]  }
0x31: {  	[smem:$0x3FB2] =	sst s10  }
0x32: {  	s10 =	sld [smem:$0x3FB0];
	_ =	sdelay $0x3  }
0x33: {  	p0 =	seq.s32 s10, $0x1;
	s10 =	sld [smem:$0x3FB2];
	_ =	sdelay $0x3  }
0x34: {  	[smem:$0x3FB2] =	sst s10  }
0x35: {  	s10 =	sld [smem:$0x3FB1];
	_ =	sdelay $0x3  }
0x36: {  	p1 =	seq.s32 s10, $0x1;
	s10 =	sld [smem:$0x3FB2];
	_ =	sdelay $0x3  }
0x37: {  	[smem:$0x3FB2] =	sst s10  }
0x38: {  	s10 =	sld [smem:$0x3FB3]  }
0x39: {  	_ = 	snop;
	(pc) =	sbr.ind lr, $3  }
0x3a: {  	_ = 	snop  }
0x3b: {  	_ = 	snop  }
0x3c: {  	p2 =	seq.s32 s10, $0x1;
	s10 =	sld [smem:$0x3FB2]  }
0x3d: {  	_ =	shalt  }
0x3e: {  	_ =	shalt  }
0x3f: {  	_ =	shalt  }
0x40: {  	_ =	shalt  }
0x41: {  	_ =	shalt  }
0x42: {  	_ =	shalt  }
0x43: {  	_ =	shalt  }
0x44: {  	_ =	shalt  }
0x45: {  	_ =	shalt  }
0x46: {  	_ =	shalt  }
0x47: {  	_ =	shalt  }
0x48: {  	_ =	shalt  }
0x49: {  	_ =	shalt  }
0x4a: {  	_ =	shalt  }
0x4b: {  	_ =	shalt  }
0x4c: {  	_ =	shalt  }
0x4d: {  	_ =	shalt  }
0x4e: {  	_ =	shalt  }
0x4f: {  	_ =	shalt  }
0x50: {  	_ =	shalt  }
0x51: {  	_ =	shalt  }
0x52: {  	_ =	shalt  }
0x53: {  	_ =	shalt  }
0x54: {  	_ =	shalt  }
0x55: {  	_ =	shalt  }
0x56: {  	_ =	shalt  }
0x57: {  	_ =	shalt  }
0x58: {  	_ =	shalt  }
0x59: {  	_ =	shalt  }
0x5a: {  	_ =	shalt  }
0x5b: {  	_ =	shalt  }
0x5c: {  	_ =	shalt  }
0x5d: {  	_ =	shalt  }
0x5e: {  	_ =	shalt  }
0x5f: {  	_ =	shalt  }
0x60: {  	_ =	shalt  }
0x61: {  	_ =	shalt  }
0x62: {  	_ =	shalt  }
0x63: {  	_ =	shalt  }
0x64: {  	_ =	shalt  }
0x65: {  	_ =	shalt  }
0x66: {  	_ =	shalt  }
0x67: {  	_ =	shalt  }
0x68: {  	_ =	shalt  }
0x69: {  	_ =	shalt  }
0x6a: {  	_ =	shalt  }
0x6b: {  	_ =	shalt  }
0x6c: {  	_ =	shalt  }
0x6d: {  	_ =	shalt  }
0x6e: {  	_ =	shalt  }
0x6f: {  	_ =	shalt  }
0x70: {  	_ =	shalt  }
0x71: {  	_ =	shalt  }
0x72: {  	_ =	shalt  }
0x73: {  	_ =	shalt  }
0x74: {  	_ =	shalt  }
0x75: {  	_ =	shalt  }
0x76: {  	_ =	shalt  }
0x77: {  	_ =	shalt  }
0x78: {  	_ =	shalt  }
0x79: {  	_ =	shalt  }
0x7a: {  	_ =	shalt  }
0x7b: {  	_ =	shalt  }
0x7c: {  	_ =	shalt  }
0x7d: {  	_ =	shalt  }
0x7e: {  	_ =	shalt  }
0x7f: {  	_ =	shalt  }
0x80: {  	_ =	shalt  }
0x81: {  	_ =	shalt  }
0x82: {  	_ =	shalt  }
0x83: {  	_ =	shalt  }
0x84: {  	_ =	shalt  }
0x85: {  	_ =	shalt  }
0x86: {  	_ =	shalt  }
0x87: {  	_ =	shalt  }
.Lfunc_end0:
.L_simem_size_0:
called_computation_lowered:
.L_overlay_start_0:
0x88: {  	s2 =	sld [smem:$0x3FD9]  }
0x89: {  	s3 =	sld [smem:$0x3FFE];
	_ =	sdelay $0x1  }
0x8a: {  	s1 =	srdreg.scid  }
0x8b: {  	s0 =	sand.u32 $0x1, s1  }
0x8c: {  	s17 =	sshll.u32 s0, $0xA;
	s2 =	sadd.s32 s3, s2  }
0x8d: {  	s2 =	sadd.s32 s2, s17  }
0x8e: {  	[smem:$0x3FBE] =	sst s2  }
0x8f: {  	_ = 	snop  }
0x90: {  	s2 =	sld [smem:$0x3FD0];
	(tm) =	ssettm $0x1  }
0x91: {  	s18 =	sld [smem:$0x3FFB];
	_ =	sdelay $0x3  }
0x92: {  	_ =	strace s18  }
0x93: {  	s3 =	sld [smem:$0x3FFC];
	_ =	sdelay $0x3  }
0x94: {  	_ =	strace s3  }
0x95: {  	s3 =	sld [smem:$0x3FFD];
	_ =	sdelay $0x3  }
0x96: {  	_ =	strace s3  }
0x97: {  	_ =	strace $0x8FFFFFFF  }
0x98: {  	s19 =	sld [smem:$0x3FDB];
	_ =	sdelay $0x1  }
0x99: {  	s4 =	simm.s32 $_scs_section_size  }
0x9a: {  	s5 =	simm.s32 $_size__tile_overlayer_lowered;
	s6 =	simm.s32 $_tile_overlayer_lowered  }
0x9b: {  	s22 =	simm.s32 $0x1BFF;
	s21 =	sshll.u32 s6, $0x1;
	s3 =	sadd.s32 s4, s19  }
0x9c: {  	s7 =	simm.s32 $0x0;
	s20 =	sshll.u32 s5, $0x1;
	s5 =	sadd.s32 s21, s3  }
0x9d: {  	[timem:s7], [sflag:s22] =	dma.local [hbm:s5], s20  }
0x9e: {  	_ =	swait.ge [sflag:s22], s20  }
0x9f: {  	s4 =	ssub.s32 $0x0, s20;
	[sflag:s22] =	ssyncset.done $0x0  }
0xa0: {  	[sflag:s22] =	ssyncadd.s32 s4;
	_ =	sdelay $0x1  }
0xa1: {  	s23 =	simm.s32 $0x1B8B  }
0xa2: {  	_ =	swait.ge [sflag:s23], $0x1  }
0xa3: {  	[sflag:s23] =	ssyncset.done $0x0  }
0xa4: {  	s25 =	simm.s32 $0x1B8E;
	s24 =	sld [smem:$0x3FFE];
	[sflag:s23] =	ssyncadd.s32 $0xFFFFFFFF  }
0xa5: {  	s26 =	simm.s32 $execute0_lowered;
	[smem:$0x3FD2] =	sst s25  }
0xa6: {  	s5 =	sshll.u32 s26, $0x1;
	_ =	strace $0x80000046;
	[dreg:$0x1] =	wrdreg $0xFFFFFFFF  }
0xa7: {  	s28 =	simm.s32 $_size_execute0_lowered;
	s3 =	sadd.s32 s3, s5;
	[dreg:$0x0] =	wrdreg $0x0  }
0xa8: {  	s5 =	sshll.u32 s28, $0x1;
	[dreg:$0x2] =	wrdreg s3  }
0xa9: {  	[dreg:$0x3] =	wrdreg s5  }
0xaa: {  	[dreg:$0x4] =	wrdreg $0xC0  }
0xab: {  	_ =	task [dreg:s7], $0x5FFFF  }
0xac: {  	[dreg:$0x1] =	wrdreg $0xFFFFFFFF  }
0xad: {  	[dreg:$0x0] =	wrdreg $0x60  }
0xae: {  	[dreg:$0x2] =	wrdreg s24  }
0xaf: {  	[dreg:$0x3] =	wrdreg s2  }
0xb0: {  	[dreg:$0x4] =	wrdreg $0x0  }
0xb1: {  	[dreg:$0x5] =	wrdreg $0x140000  }
0xb2: {  	[dreg:$0x6] =	wrdreg $0x9  }
0xb3: {  	_ =	task.clear_ibuf [dreg:s7], $0x7FFFF;
	_ =	strace $0x90000046  }
0xb4: {  	s29 =	simm.s32 $0x9;
	_ =	strace $0x80000048  }
0xb5: {  	_ =	swait.ge [sflag:s29], $0x1  }
0xb6: {  	[sflag:s29] =	ssyncadd.s32 $0xFFFFFFFF  }
0xb7: {  	_ =	strace $0x90000048  }
0xb8: {  	_ =	sfence  }
0xb9: {  	s30 =	sld [smem:$0x0];
	_ =	sdelay $0x2  }
0xba: {  	s31 =	sshll.u32 s1, $0xD;
	s1 =	sshrl.u32 s1, $0x2  }
0xbb: {  	s3 =	sand.u32 $0x4000, s31;
	s1 =	sadd.s32 s1, s30  }
0xbc: {  	s0 =	sor.u32 s3, s0;
	s1 =	sshll.u32 s1, $0x11  }
0xbd: {  	s0 =	sor.u32 s1, s0  }
0xbe: {  	s0 =	sadd.s32 $0x8F2B, s0  }
0xbf: {  	[sflag:s0] =	ssyncadd.remote.s32 $0x1  }
0xc0: {  	_ =	sfence.sel $0xFFFF  }
0xc1: {  	[dreg:$0x0] =	wrdreg $0xFFFFFFFF;
	(pc) =	sbr.abs _section_cstart, $3  }
0xc2: {  	[dreg:$0x1] =	wrdreg $0xFFFFFFFF  }
0xc3: {  	_ =	task.clear_ibuf [dreg:s7], $0x2FFFF;
	_ =	strace $0x9FFFFFFF  }
0xc4: {  	(tm) =	ssettm $0x7FFFFFFF  }
0xc5: {  	_ =	shalt  }
tec
execute0_lowered:
.L_overlay_start_1:
0x0: {  	(tag) =	ssettag $0x1  }
0x1: {  	s0 =	rddreg [dreg:$0x0]  }
0x2: {  	s3 =	rddreg [dreg:$0x2]  }
0x3: {  	s4 =	rddreg [dreg:$0x3];
	s18 =	stileid.u32;
	s2 =	simm.s32 $0x0  }
0x4: {  	s11 =	srdreg.scid;
	s28 =	simm.s32 $0x16940;
	s29 =	simm.s32 $0x168A0  }
0x5: {  	s30 =	simm.s32 $0x4;
	s31 =	simm.s32 $0x19140;
	s1 =	smul.u32 $0x14000, s18  }
0x6: {  	[smem:$0x7FF] =	sst s2;
	s25 =	smul.u32 $0x2800, s18;
	s6 =	sadd.s32 $0x16E00, s0  }
0x7: {  	s7 =	sadd.s32 $0x3400, s0;
	s13 =	sadd.s32 $0x75E00, s0;
	s14 =	sadd.s32 $0x9DE00, s0  }
0x8: {  	s11 =	sand.u32 $0x1, s11;
	s16 =	sadd.s32 $0x70E00, s0;
	_ =	strace $0x80000047  }
0x9: {  	s12 =	ssub.s32 $0x2, s11;
	s15 =	sshll.u32 s11, $0x4;
	s19 =	smul.u32 $0x27100, s11  }
0xa: {  	p0 =	seq.s32 s11, $0x1;
	s5 =	sshrl.u32 s1, $0x3;
	s8 =	sshrl.u32 s25, $0x3  }
0xb: {  	s17 =	sshrl.u32 s12, $0x1;
	s15 =	sor.u32 s18, s15;
	s1 =	sadd.s32 s1, s3  }
0xc: {  	s2 =	sadd.s32 s25, s4;
	s13 =	smov.u32 @p0 s14;
	s9 =	sadd.s32 s5, s0  }
0xd: {  	s10 =	sadd.s32 s8, s0;
	s0 =	sadd.s32 $0x6BE00, s0;
	s26 =	smul.u32 $0x2710, s15  }
0xe: {  	s17 =	ssub.s32 s12, s17;
	s15 =	sshll.u32 s18, $0x6;
	s18 =	smul.u32 $0x2710, s18  }
0xf: {  	[dreg:$0x6] =	wrdreg s2;
	s5 =	sadd.s32 s13, s5;
	s2 =	simm.s32 $0x5  }
0x10: {  	s9 =	sadd.s32 $0x3EE00, s9;
	s20 =	sadd.s32 $0x66E00, s10;
	s23 =	smax.u32 s17, $0x1  }
0x11: {  	s16 =	smov.u32 @p0 s0;
	[dreg:$0xa] =	wrdreg s5;
	s0 =	simm.s32 $0x1  }
0x12: {  	s5 =	simm.s32 $0x2;
	s10 =	simm.s32 $0x0;
	[dreg:$0x5] =	wrdreg s9  }
0x13: {  	s9 =	sor.u32 $0x1C06, s15;
	s12 =	sshrl.u32 s26, $0x3;
	[dreg:$0x7] =	wrdreg s20  }
0x14: {  	s22 =	sadd.s32 s18, s19;
	[dreg:$0x9] =	wrdreg s23;
	s26 =	sadd.s32 s16, s8  }
0x15: {  	s20 =	sshrl.u32 s1, $0x3;
	s23 =	simm.s32 $0x50;
	s1 =	simm.s32 $0x16850  }
0x16: {  	s8 =	simm.s32 $0x168F0;
	s12 =	sadd.s32 s7, s12;
	s24 =	sadd.s32 $0xF0, s22  }
0x17: {  	[dreg:$0xb] =	wrdreg s26;
	s19 =	sadd.s32 $0xA0, s22;
	s22 =	simm.s32 $0x1B940  }
0x18: {  	s26 =	simm.s32 $0x3;
	s21 =	sadd.s32 $0xA, s12;
	s15 =	sadd.s32 $0x4D8, s12  }
0x19: {  	s25 =	sshrl.u32 s24, $0x3;
	s24 =	simm.s32 $0x4E200;
	[dreg:$0x8] =	wrdreg s21  }
0x1a: {  	s18 =	sadd.s32 s25, s7;
	s21 =	simm.s32 $0x6;
	s25 =	simm.s32 $0x16800  }
.LBB2_1:
0x1b: {  	s11 =	rddreg [dreg:$0x5]  }
0x1c: {  	[spmem:s20], [sflag:s9] =	dma.local [hbm:s11], $0x2800  }
0x1d: {  	_ =	swait.ge [sflag:s21], $0x2800  }
0x1e: {  	[sflag:s21] =	ssyncset.done $0x0;
	s16 =	rddreg [dreg:$0x6]  }
0x1f: {  	s13 =	rddreg [dreg:$0x7];
	[sflag:s21] =	ssyncadd.s32 $0xFFFFD800;
	s11 =	sshrl.u32 s16, $0x3  }
0x20: {  	[spmem:s11], [sflag:s9] =	dma.local [hbm:s13], $0x500  }
0x21: {  	_ =	swait.ge [sflag:s21], $0x500  }
0x22: {  	[sflag:s21] =	ssyncset.done $0x0  }
0x23: {  	[sflag:s21] =	ssyncadd.s32 $0xFFFFFB00  }
0x24: {  	s14 =	simm.s32 $0x0;
	s17 =	rddreg [dreg:$0x1]  }
0x25: {  	[tilespmem:s22], [sflag:$0x6] =	stream.linear.gather [hbm4b:s17+s14], $0x500, $0x38;
	[tilespmem:$0x1BE40] =	vst v63  }
0x26: {  	_ =	swait.ge [sflag:s21], $0x500  }
0x27: {  	[sflag:s21] =	ssyncset.done $0x0  }
0x28: {  	[sflag:s21] =	ssyncadd.s32 $0xFFFFFB00  }
0x29: {  	[bflag:$0x0] =	sbarrier.arrive $0xFFFF  }
0x2a: {  	[tilespmem:s25], [sflag:$0x3] =	stream.strided.gather [hbm4b:s12+s23], $0xA0, s24, s23, $0x38;
	[tilespmem:$0x1BE40] =	vst v63  }
0x2b: {  	_ =	swait.ge [sflag:s26], $0xA0  }
0x2c: {  	[sflag:s26] =	ssyncset.done $0x0  }
0x2d: {  	[sflag:s26] =	ssyncadd.s32 $0xFFFFFF60  }
0x2e: {  	[tilespmem:s28], [sflag:$0x1] =	stream.indirect.gather [hbm4b:s6+s23], $0x80, s25, s23, $0xb8;
	[tilespmem:$0x1BE40] =	vst v63  }
0x2f: {  	s16 =	rddreg [dreg:$0x8]  }
0x30: {  	[tilespmem:s29], [sflag:$0x4] =	stream.strided.gather [hbm4b:s16+s23], $0xA0, s24, s23, $0x38;
	[tilespmem:$0x1BE40] =	vst v63  }
0x31: {  	_ =	swait.ge [sflag:s30], $0xA0  }
0x32: {  	[sflag:s30] =	ssyncset.done $0x0  }
0x33: {  	[sflag:s30] =	ssyncadd.s32 $0xFFFFFF60  }
0x34: {  	[tilespmem:s31], [sflag:$0x2] =	stream.indirect.gather [hbm4b:s6+s23], $0x80, s29, s23, $0xb8;
	[tilespmem:$0x1BE40] =	vst v63  }
0x35: {  	_ =	swait.ge [sflag:s0], $0x2800  }
0x36: {  	[sflag:s0] =	ssyncset.done $0x0  }
0x37: {  	[sflag:s0] =	ssyncadd.s32 $0xFFFFD800  }
0x38: {  	[spmem:s4] =	stream.indirect.scatter.add.f32 [tilespmem:s22], [sflag:$0x5], $0x10, s1, s23, $0xb8;
	[tilespmem:$0x1BE40] =	vst v63  }
0x39: {  	_ = 	snop  }
0x3a: {  	[spmem:s3] =	stream.indirect.scatter.add.f32 [tilespmem:s28], [sflag:$0x6], $0x80, s1, s23, $0xb8;
	[tilespmem:$0x1BE40] =	vst v63  }
0x3b: {  	_ =	swait.ge [sflag:s21], $0x2800  }
0x3c: {  	[sflag:s21] =	ssyncset.done $0x0  }
0x3d: {  	[sflag:s21] =	ssyncadd.s32 $0xFFFFD800  }
0x3e: {  	_ =	swait.ge [sflag:s2], $0x500  }
0x3f: {  	s17 =	sshrl.u32 s19, $0x3;
	[sflag:s2] =	ssyncset.done $0x0  }
0x40: {  	s13 =	sadd.s32 s7, s17;
	[sflag:s2] =	ssyncadd.s32 $0xFFFFFB00  }
0x41: {  	[tilespmem:s25], [sflag:$0x3] =	stream.strided.gather [hbm4b:s13+s23], $0xA0, s24, s23, $0x38;
	[tilespmem:$0x1BE40] =	vst v63  }
0x42: {  	_ =	swait.ge [sflag:s26], $0xA0  }
0x43: {  	[sflag:s26] =	ssyncset.done $0x0  }
0x44: {  	[sflag:s26] =	ssyncadd.s32 $0xFFFFFF60  }
0x45: {  	[tilespmem:s28], [sflag:$0x1] =	stream.indirect.gather [hbm4b:s6+s23], $0x80, s25, s23, $0xb8;
	[tilespmem:$0x1BE40] =	vst v63  }
0x46: {  	_ =	swait.ge [sflag:s5], $0x2800  }
0x47: {  	[sflag:s5] =	ssyncset.done $0x0  }
0x48: {  	[sflag:s5] =	ssyncadd.s32 $0xFFFFD800  }
0x49: {  	[spmem:s4] =	stream.indirect.scatter.add.f32 [tilespmem:s22], [sflag:$0x5], $0x10, s8, s23, $0xb8;
	[tilespmem:$0x1BE40] =	vst v63  }
0x4a: {  	_ = 	snop  }
0x4b: {  	[spmem:s3] =	stream.indirect.scatter.add.f32 [tilespmem:s31], [sflag:$0x6], $0x80, s8, s23, $0xb8;
	[tilespmem:$0x1BE40] =	vst v63  }
0x4c: {  	_ =	swait.ge [sflag:s21], $0x2800  }
0x4d: {  	[sflag:s21] =	ssyncset.done $0x0  }
0x4e: {  	[sflag:s21] =	ssyncadd.s32 $0xFFFFD800  }
0x4f: {  	_ =	swait.ge [sflag:s2], $0x500  }
0x50: {  	s14 =	sadd.s32 $0xA0, s19;
	[sflag:s2] =	ssyncset.done $0x0  }
0x51: {  	s16 =	sadd.s32 $0x0, s18;
	s13 =	simm.s32 $0x14;
	[sflag:s2] =	ssyncadd.s32 $0xFFFFFB00  }
.LBB2_2:
0x52: {  	[tilespmem:s29], [sflag:$0x4] =	stream.strided.gather [hbm4b:s16+s23], $0xA0, s24, s23, $0x38;
	[tilespmem:$0x1BE40] =	vst v63  }
0x53: {  	s16 =	smov.u32 s13  }
0x54: {  	p0 =	sne.s32 s13, $0x4B0;
	s13 =	sadd.s32 $0x14, s13;
	_ =	swait.ge [sflag:s30], $0xA0  }
0x55: {  	[sflag:s30] =	ssyncset.done $0x0  }
0x56: {  	[sflag:s30] =	ssyncadd.s32 $0xFFFFFF60  }
0x57: {  	[tilespmem:s31], [sflag:$0x2] =	stream.indirect.gather [hbm4b:s6+s23], $0x80, s29, s23, $0xb8;
	[tilespmem:$0x1BE40] =	vst v63  }
0x58: {  	_ =	swait.ge [sflag:s0], $0x2800  }
0x59: {  	[sflag:s0] =	ssyncset.done $0x0  }
0x5a: {  	[sflag:s0] =	ssyncadd.s32 $0xFFFFD800  }
0x5b: {  	[spmem:s4] =	stream.indirect.scatter.add.f32 [tilespmem:s22], [sflag:$0x5], $0x10, s1, s23, $0xb8;
	[tilespmem:$0x1BE40] =	vst v63  }
0x5c: {  	_ = 	snop  }
0x5d: {  	[spmem:s3] =	stream.indirect.scatter.add.f32 [tilespmem:s28], [sflag:$0x6], $0x80, s1, s23, $0xb8;
	[tilespmem:$0x1BE40] =	vst v63  }
0x5e: {  	_ =	swait.ge [sflag:s21], $0x2800  }
0x5f: {  	[sflag:s21] =	ssyncset.done $0x0  }
0x60: {  	[sflag:s21] =	ssyncadd.s32 $0xFFFFD800  }
0x61: {  	_ =	swait.ge [sflag:s2], $0x500  }
0x62: {  	s17 =	sshrl.u32 s14, $0x3;
	[sflag:s2] =	ssyncset.done $0x0  }
0x63: {  	s17 =	sadd.s32 s7, s17;
	[sflag:s2] =	ssyncadd.s32 $0xFFFFFB00  }
0x64: {  	[tilespmem:s25], [sflag:$0x3] =	stream.strided.gather [hbm4b:s17+s23], $0xA0, s24, s23, $0x38;
	[tilespmem:$0x1BE40] =	vst v63  }
0x65: {  	_ =	swait.ge [sflag:s26], $0xA0  }
0x66: {  	[sflag:s26] =	ssyncset.done $0x0  }
0x67: {  	[sflag:s26] =	ssyncadd.s32 $0xFFFFFF60  }
0x68: {  	[tilespmem:s28], [sflag:$0x1] =	stream.indirect.gather [hbm4b:s6+s23], $0x80, s25, s23, $0xb8;
	[tilespmem:$0x1BE40] =	vst v63  }
0x69: {  	_ =	swait.ge [sflag:s5], $0x2800  }
0x6a: {  	[sflag:s5] =	ssyncset.done $0x0  }
0x6b: {  	[sflag:s5] =	ssyncadd.s32 $0xFFFFD800  }
0x6c: {  	[spmem:s4] =	stream.indirect.scatter.add.f32 [tilespmem:s22], [sflag:$0x5], $0x10, s8, s23, $0xb8;
	[tilespmem:$0x1BE40] =	vst v63  }
0x6d: {  	_ = 	snop  }
0x6e: {  	[spmem:s3] =	stream.indirect.scatter.add.f32 [tilespmem:s31], [sflag:$0x6], $0x80, s8, s23, $0xb8;
	[tilespmem:$0x1BE40] =	vst v63  }
0x6f: {  	_ =	swait.ge [sflag:s21], $0x2800  }
.Ltmp0:
0x70: {  	[sflag:s21] =	ssyncset.done $0x0;
	(pc) =	sbr.rel @p0 .LBB2_2-.Ltmp0, $4  }
0x71: {  	[sflag:s21] =	ssyncadd.s32 $0xFFFFD800  }
0x72: {  	_ =	swait.ge [sflag:s2], $0x500  }
0x73: {  	[sflag:s2] =	ssyncset.done $0x0  }
0x74: {  	s14 =	sadd.s32 $0xA0, s14;
	s16 =	sadd.s32 s16, s18;
	[sflag:s2] =	ssyncadd.s32 $0xFFFFFB00  }
0x75: {  	[tilespmem:s29], [sflag:$0x4] =	stream.strided.gather [hbm4b:s16+s23], $0xA0, s24, s23, $0x38;
	[tilespmem:$0x1BE40] =	vst v63  }
0x76: {  	_ =	swait.ge [sflag:s30], $0xA0  }
0x77: {  	[sflag:s30] =	ssyncset.done $0x0  }
0x78: {  	[sflag:s30] =	ssyncadd.s32 $0xFFFFFF60  }
0x79: {  	[tilespmem:s31], [sflag:$0x2] =	stream.indirect.gather [hbm4b:s6+s23], $0x80, s29, s23, $0xb8;
	[tilespmem:$0x1BE40] =	vst v63  }
0x7a: {  	_ =	swait.ge [sflag:s0], $0x2800  }
0x7b: {  	[sflag:s0] =	ssyncset.done $0x0  }
0x7c: {  	[sflag:s0] =	ssyncadd.s32 $0xFFFFD800  }
0x7d: {  	[spmem:s4] =	stream.indirect.scatter.add.f32 [tilespmem:s22], [sflag:$0x5], $0x10, s1, s23, $0xb8;
	[tilespmem:$0x1BE40] =	vst v63  }
0x7e: {  	_ = 	snop  }
0x7f: {  	[spmem:s3] =	stream.indirect.scatter.add.f32 [tilespmem:s28], [sflag:$0x6], $0x80, s1, s23, $0xb8;
	[tilespmem:$0x1BE40] =	vst v63  }
0x80: {  	_ =	swait.ge [sflag:s21], $0x2800  }
0x81: {  	[sflag:s21] =	ssyncset.done $0x0  }
0x82: {  	[sflag:s21] =	ssyncadd.s32 $0xFFFFD800  }
0x83: {  	_ =	swait.ge [sflag:s2], $0x500  }
0x84: {  	[sflag:s2] =	ssyncset.done $0x0  }
0x85: {  	[sflag:s2] =	ssyncadd.s32 $0xFFFFFB00  }
0x86: {  	[tilespmem:s25], [sflag:$0x3] =	stream.strided.gather [hbm4b:s15+s23], $0xA0, s24, s23, $0x38;
	[tilespmem:$0x1BE40] =	vst v63  }
0x87: {  	_ =	swait.ge [sflag:s26], $0xA0  }
0x88: {  	[sflag:s26] =	ssyncset.done $0x0  }
0x89: {  	[sflag:s26] =	ssyncadd.s32 $0xFFFFFF60  }
0x8a: {  	[tilespmem:s28], [sflag:$0x1] =	stream.indirect.gather [hbm4b:s6+s23], $0x80, s25, s23, $0xb8;
	[tilespmem:$0x1BE40] =	vst v63  }
0x8b: {  	_ =	swait.ge [sflag:s5], $0x2800  }
0x8c: {  	[sflag:s5] =	ssyncset.done $0x0  }
0x8d: {  	[sflag:s5] =	ssyncadd.s32 $0xFFFFD800  }
0x8e: {  	[spmem:s4] =	stream.indirect.scatter.add.f32 [tilespmem:s22], [sflag:$0x5], $0x10, s8, s23, $0xb8;
	[tilespmem:$0x1BE40] =	vst v63  }
0x8f: {  	_ = 	snop  }
0x90: {  	[spmem:s3] =	stream.indirect.scatter.add.f32 [tilespmem:s31], [sflag:$0x6], $0x80, s8, s23, $0xb8;
	[tilespmem:$0x1BE40] =	vst v63  }
0x91: {  	_ =	swait.ge [sflag:s21], $0x2800  }
0x92: {  	[sflag:s21] =	ssyncset.done $0x0  }
0x93: {  	[sflag:s21] =	ssyncadd.s32 $0xFFFFD800  }
0x94: {  	_ =	swait.ge [sflag:s2], $0x500  }
0x95: {  	[sflag:s2] =	ssyncset.done $0x0  }
0x96: {  	[sflag:s2] =	ssyncadd.s32 $0xFFFFFB00  }
0x97: {  	[tilespmem:s29], [sflag:$0x4] =	stream.strided.gather [hbm4b:s15+s23], $0xA0, s24, s23, $0x38;
	[tilespmem:$0x1BE40] =	vst v63  }
0x98: {  	_ =	swait.ge [sflag:s0], $0x2800  }
0x99: {  	[sflag:s0] =	ssyncset.done $0x0  }
0x9a: {  	[sflag:s0] =	ssyncadd.s32 $0xFFFFD800  }
0x9b: {  	[spmem:s4] =	stream.indirect.scatter.add.f32 [tilespmem:s22], [sflag:$0x5], $0x10, s1, s23, $0xb8;
	[tilespmem:$0x1BE40] =	vst v63  }
0x9c: {  	_ = 	snop  }
0x9d: {  	[spmem:s3] =	stream.indirect.scatter.add.f32 [tilespmem:s28], [sflag:$0x6], $0x80, s1, s23, $0xb8;
	[tilespmem:$0x1BE40] =	vst v63  }
0x9e: {  	_ =	swait.ge [sflag:s21], $0x2800  }
0x9f: {  	[sflag:s21] =	ssyncset.done $0x0  }
0xa0: {  	[sflag:s21] =	ssyncadd.s32 $0xFFFFD800  }
0xa1: {  	_ =	swait.ge [sflag:s2], $0x500  }
0xa2: {  	[sflag:s2] =	ssyncset.done $0x0  }
0xa3: {  	[sflag:s2] =	ssyncadd.s32 $0xFFFFFB00  }
0xa4: {  	_ =	swait.ge [sflag:s30], $0xA0  }
0xa5: {  	[sflag:s30] =	ssyncset.done $0x0  }
0xa6: {  	[sflag:s30] =	ssyncadd.s32 $0xFFFFFF60  }
0xa7: {  	[bflag:$0x0] =	sbarrier.arrive $0xFFFF  }
0xa8: {  	s13 =	rddreg [dreg:$0xa]  }
0xa9: {  	[hbm:s13], [sflag:s9] =	dma.local [spmem:s20], $0x2800  }
0xaa: {  	_ =	swait.ge [sflag:s21], $0x2800  }
0xab: {  	[sflag:s21] =	ssyncset.done $0x0  }
0xac: {  	s16 =	rddreg [dreg:$0xb];
	[sflag:s21] =	ssyncadd.s32 $0xFFFFD800  }
0xad: {  	[hbm:s16], [sflag:s9] =	dma.local [spmem:s11], $0x500  }
0xae: {  	_ =	swait.ge [sflag:s21], $0x500  }
0xaf: {  	s10 =	sadd.s32 $0x1, s10;
	s17 =	rddreg [dreg:$0x9]  }
0xb0: {  	p0 =	sne.s32 s10, s17  }
.Ltmp1:
0xb1: {  	_ = 	snop;
	(pc) =	sbr.rel @p0 .LBB2_1-.Ltmp1, $3  }
0xb2: {  	_ =	sdelay $0x1  }
0xb3: {  	[sflag:s21] =	ssyncset.done $0x0  }
0xb4: {  	[sflag:s21] =	ssyncadd.s32 $0xFFFFFB00  }
0xb5: {  	_ =	sfence.sel $0x180000  }
0xb6: {  	[bflag:$0x0] =	sbarrier.arrive $0xFFFF  }
0xb7: {  	_ =	strace $0x90000047  }
0xb8: {  	s0 =	stileid.u32;
	[bflag:$0x2] =	sbarrier.arrive $0xFFFF  }
0xb9: {  	p0 =	sne.s32 s0, $0x0;
	s0 =	rddreg [dreg:$0x4]  }
0xba: {  	s0 =	sadd.s32 @!p0 $0x100000, s0  }
0xbb: {  	[sflag:s0] =	ssyncadd.tile.s32 @!p0 $0x1;
	_ =	shalt  }
.Lfunc_end2:
_tile_overlayer_lowered:
.L_overlay_start_2:
0xbc: {  	(tag) =	ssettag $0x2  }
0xbd: {  	s0 =	rddreg [dreg:$0x0];
	s2 =	stileid.u32  }
0xbe: {  	s1 =	rddreg [dreg:$0x1];
	p0 =	sne.s32 s2, $0x0  }
0xbf: {  	s3 =	rddreg [dreg:$0x2];
	[bflag:$0x3] =	sbarrier.arrive $0xFFFF;
	s2 =	simm.s32 @!p0 $0x1C06  }
0xc0: {  	[timem:s3], [sflag:s2] =	dma.local @!p0 [hbm:s0], s1  }
0xc1: {  	s0 =	simm.s32 @!p0 $0x6  }
0xc2: {  	_ =	swait.ge @!p0 [sflag:s0], s1  }
0xc3: {  	s1 =	ssub.s32 @!p0 $0x0, s1;
	[sflag:s0] =	ssyncset.done @!p0 $0x0  }
0xc4: {  	[sflag:s0] =	ssyncadd.s32 @!p0 s1  }
0xc5: {  	[bflag:$0x3] =	sbarrier.arrive $0xFFFF  }
0xc6: {  	_ =	shalt  }

</sc_bundles>
